<compile_context>
chip_gen: v7x
topology: tpu7x:2x2x1
jax: 0.10.2.dev20260603
libtpu: 0.0.44.dev20260713+nightly
codegen_flags: <defaults>
</compile_context>

<pallas_src>
import functools

import jax
import jax.numpy as jnp
from jax import lax
from jax.experimental import pallas as pl
from jax.experimental.pallas import tpu as pltpu
from jax.experimental.pallas import tpu_sc as plsc

N = 10000
E = 320000
H = 128

NUM_CORES = 2
NUM_SUBCORES = 16
NUM_WORKERS = NUM_CORES * NUM_SUBCORES
EDGES_PER_WORKER = E // NUM_WORKERS
CHUNK = 100
NUM_CHUNKS = EDGES_PER_WORKER // CHUNK
NBUF = 2
GROUPS = NUM_CHUNKS // NBUF
STRIPE = 624
LAST_STRIPE = N - STRIPE * (NUM_SUBCORES - 1)


def _uhg_weight(m):
  col = lax.broadcasted_iota(jnp.int32, m.shape, 1)
  m2 = jnp.where(col < 2, m, 0.0)
  sq = jnp.sum(m2 * m2, axis=1, keepdims=True)
  den = 1.0 - sq
  safe_den = jnp.maximum(jnp.abs(den), 1e-9)
  quad = sq / (safe_den * jnp.sign(den))
  return 1.0 / (quad + 1.0)


def _matmul_t(h, w_ref):
  return lax.dot_general(h, w_ref[...], (((1,), (1,)), ((), ())),
                         preferred_element_type=jnp.float32)


def _elu_bn(p_ref, scale_ref, shift_ref):
  h = p_ref[0] + p_ref[1]
  h = h * scale_ref[...] + shift_ref[...]
  return jnp.where(h > 0.0, h, jnp.exp(h) - 1.0)


def _pre_body(x_ref, w_ref, b_ref, mw_w_ref, mw_b_ref, t_ref, mw_ref):
  h = x_ref[...]
  t_ref[...] = _matmul_t(h, w_ref) + b_ref[...]
  m = _matmul_t(h, mw_w_ref) + mw_b_ref[...]
  mw_ref[...] = m * _uhg_weight(m)


def _mid_body(p_ref, scale_ref, shift_ref, w_ref, b_ref, mw_w_ref, mw_b_ref,
              t_ref, mw_ref):
  h = _elu_bn(p_ref, scale_ref, shift_ref)
  t_ref[...] = _matmul_t(h, w_ref) + b_ref[...]
  m = _matmul_t(h, mw_w_ref) + mw_b_ref[...]
  mw_ref[...] = m * _uhg_weight(m)


def _out_body(p_ref, scale_ref, shift_ref, wp_ref, bp_ref, out_ref):
  h = _elu_bn(p_ref, scale_ref, shift_ref)
  y = _matmul_t(h, wp_ref) + bp_ref[...]
  norm = jnp.maximum(jnp.sqrt(jnp.sum(y * y, axis=1, keepdims=True)), 1e-12)
  out_ref[...] = y / norm


_f32 = jnp.float32
_nh = jax.ShapeDtypeStruct((N, H), _f32)

_pre_call = pl.pallas_call(_pre_body, out_shape=(_nh, _nh))
_mid_call = pl.pallas_call(_mid_body, out_shape=(_nh, _nh))
_out_call = pl.pallas_call(_out_body, out_shape=_nh)


@functools.cache
def _make_sc_scatter():
  mesh = plsc.VectorSubcoreMesh(core_axis_name="c", subcore_axis_name="s",
                                num_cores=NUM_CORES,
                                num_subcores=NUM_SUBCORES)
  return functools.partial(
      pl.kernel,
      out_type=jax.ShapeDtypeStruct((NUM_CORES, N, H), _f32),
      mesh=mesh,
      scratch_types=[
          pltpu.VMEM((NBUF, 2, CHUNK), jnp.int32),
          pltpu.VMEM((NBUF, CHUNK, H), _f32),
          pltpu.VMEM_SHARED((N, H), _f32),
          pltpu.SemaphoreType.DMA((NBUF,)),
          pltpu.SemaphoreType.DMA((NBUF,)),
          pltpu.SemaphoreType.DMA((NBUF,)),
      ],
  )(_sc_scatter_body)


def _sc_scatter_body(mw_hbm, t_hbm, ei_hbm, out_hbm,
                     idx_v, rows_v, acc_sh, isem, gsem, ssem):
  c = lax.axis_index("c")
  s = lax.axis_index("s")
  w = s * NUM_CORES + c

  def _stripe(fn):
    @pl.when(s < NUM_SUBCORES - 1)
    def _():
      fn(pl.ds(s * STRIPE, STRIPE))

    @pl.when(s == NUM_SUBCORES - 1)
    def _():
      fn(pl.ds(STRIPE * (NUM_SUBCORES - 1), LAST_STRIPE))

  @pl.when(c == 0)
  def _():
    _stripe(lambda r: pltpu.sync_copy(mw_hbm.at[r], acc_sh.at[r]))

  @pl.when(c == 1)
  def _():
    _stripe(lambda r: pltpu.sync_copy(t_hbm.at[r], acc_sh.at[r]))

  def _idx_load(j, b):
    pltpu.async_copy(ei_hbm.at[w].at[j], idx_v.at[b], isem.at[b])

  def _idx_wait(j, b):
    pltpu.make_async_copy(ei_hbm.at[w].at[j], idx_v.at[b],
                          isem.at[b]).wait()

  def _gather(b):
    pltpu.async_copy(mw_hbm.at[idx_v.at[b].at[0]], rows_v.at[b], gsem.at[b])

  def _gather_wait(b):
    pltpu.make_async_copy(mw_hbm.at[idx_v.at[b].at[0]], rows_v.at[b],
                          gsem.at[b]).wait()

  def _scatter(b):
    pltpu.async_copy(rows_v.at[b], acc_sh.at[idx_v.at[b].at[1]], ssem.at[b],
                     add=True)

  def _scatter_wait(b):
    pltpu.make_async_copy(rows_v.at[b], acc_sh.at[idx_v.at[b].at[1]],
                          ssem.at[b]).wait()

  for b in range(NBUF):
    _idx_load(b, b)

  plsc.subcore_barrier()

  @pl.loop(0, GROUPS)
  def _edges(g):
    base = g * NBUF
    for b in range(NBUF):
      _idx_wait(base + b, b)
      _gather(b)
    for b in range(NBUF):
      _gather_wait(b)
      _scatter(b)
    for b in range(NBUF):
      _scatter_wait(b)

      @pl.when(g < GROUPS - 1)
      def _():
        _idx_load(base + NBUF + b, b)

  plsc.subcore_barrier()
  _stripe(lambda r: pltpu.sync_copy(acc_sh.at[r], out_hbm.at[c].at[r]))


def kernel(x, edge_index, W1, b1, M1w, M1b, g1, be1,
           W2, b2, M2w, M2b, g2, be2, Wp, bp):
  ei = edge_index.reshape(2, NUM_WORKERS, NUM_CHUNKS, CHUNK)
  ei = ei.transpose(1, 2, 0, 3)
  bn = 1.0 / jnp.sqrt(jnp.float32(1.0 + 1e-5))
  scale1 = (g1 * bn).reshape(1, H)
  shift1 = be1.reshape(1, H)
  scale2 = (g2 * bn).reshape(1, H)
  shift2 = be2.reshape(1, H)

  sc_scatter = _make_sc_scatter()
  t1, mw1 = _pre_call(x, W1, b1.reshape(1, H), M1w, M1b.reshape(1, H))
  parts1 = sc_scatter(mw1, t1, ei)
  t2, mw2 = _mid_call(parts1, scale1, shift1, W2, b2.reshape(1, H),
                      M2w, M2b.reshape(1, H))
  parts2 = sc_scatter(mw2, t2, ei)
  return _out_call(parts2, scale2, shift2, Wp, bp.reshape(1, H))

# --- scband reference (transcript-rebuilt; emitter-appended) ---
"""Pipeline reference for scband-uhggraph-nn-12524124635377 (READ-ONLY COPY).

The authoritative reference and input builder live on the scoring server;
editing this copy changes nothing except your own understanding.
"""

import jax, jax.numpy as jnp
import numpy as np

N = 10000
E = 320000
D = 128
H = 128
EMB = 128


def setup_inputs(seed: int = 0) -> dict:
    key = jax.random.key(seed)
    ks = jax.random.split(key, 20)
    x = jax.random.normal(ks[0], (N, D), dtype=jnp.float32)
    edge_index = jax.random.randint(ks[1], (2, E), 0, N, dtype=jnp.int32)
    s = 0.05
    inp = {
        'x': x,
        'edge_index': edge_index,
        'W1': jax.random.normal(ks[2], (H, D), dtype=jnp.float32) * s,
        'b1': jnp.zeros((H,), dtype=jnp.float32),
        'M1w': jax.random.normal(ks[3], (H, D), dtype=jnp.float32) * s,
        'M1b': jnp.zeros((H,), dtype=jnp.float32),
        'g1': jnp.ones((H,), dtype=jnp.float32),
        'be1': jnp.zeros((H,), dtype=jnp.float32),
        'W2': jax.random.normal(ks[4], (H, H), dtype=jnp.float32) * s,
        'b2': jnp.zeros((H,), dtype=jnp.float32),
        'M2w': jax.random.normal(ks[5], (H, H), dtype=jnp.float32) * s,
        'M2b': jnp.zeros((H,), dtype=jnp.float32),
        'g2': jnp.ones((H,), dtype=jnp.float32),
        'be2': jnp.zeros((H,), dtype=jnp.float32),
        'Wp': jax.random.normal(ks[6], (EMB, H), dtype=jnp.float32) * s,
        'bp': jnp.zeros((EMB,), dtype=jnp.float32),
    }
    return inp


def reference(x, edge_index, W1, b1, M1w, M1b, g1, be1, W2, b2, M2w, M2b, g2, be2, Wp, bp):
    n = x.shape[0]
    loop = jnp.arange(n, dtype=edge_index.dtype)
    src = jnp.concatenate([edge_index[0], loop])
    dst = jnp.concatenate([edge_index[1], loop])

    def uhg_layer(h, W, b, Wm, bm):
        transformed = h @ W.T + b
        msgs = h[src] @ Wm.T + bm
        # to_uhg_space truncates features to first 2 dims + homogeneous 1
        sq = jnp.sum(msgs[:, :2] ** 2, axis=-1)
        # quadrance vs origin [0,0,1]: aa = 1 - sq, bb = 1, ab = 1
        den = 1.0 - sq
        safe_den = jnp.maximum(jnp.abs(den), 1e-9)
        quad = sq / (safe_den * jnp.sign(den))
        w = 1.0 / (quad + 1.0)
        aggr = jax.ops.segment_sum(msgs * w[:, None], dst, num_segments=n)
        return transformed + aggr

    def bn_eval(h, g, be):
        # BatchNorm1d in eval mode: running_mean=0, running_var=1
        return h / jnp.sqrt(1.0 + 1e-5) * g + be

    h = uhg_layer(x, W1, b1, M1w, M1b)
    h = jax.nn.elu(bn_eval(h, g1, be1))
    h = uhg_layer(h, W2, b2, M2w, M2b)
    h = jax.nn.elu(bn_eval(h, g2, be2))
    h = h @ Wp.T + bp
    norm = jnp.maximum(jnp.linalg.norm(h, axis=-1, keepdims=True), 1e-12)
    return h / norm

if __name__ == "__main__":
    import jax
    _d = setup_inputs()
    print(jax.jit(kernel)(*tuple(_d.values())))

</pallas_src>

<mosaic_0001>
#map = affine_map<(d0, d1) -> (0, 0)>
#map1 = affine_map<(d0, d1) -> (0, 0, 0, 0)>
#map2 = affine_map<(d0, d1) -> (0, 0, 0)>
module attributes {stable_mosaic.version = 14 : i64} {
  func.func @_sc_scatter_body(%arg0: i32, %arg1: i32, %arg2: memref<10000x128xf32, #tpu.memory_space<hbm>>, %arg3: memref<10000x128xf32, #tpu.memory_space<hbm>>, %arg4: memref<32x100x2x100xi32, #tpu.memory_space<hbm>>, %arg5: memref<2x10000x128xf32, #tpu.memory_space<hbm>>, %arg6: memref<2x2x100xi32, #tpu.memory_space<vmem>>, %arg7: memref<2x100x128xf32, #tpu.memory_space<vmem>>, %arg8: memref<10000x128xf32, #tpu.memory_space<vmem_shared>>, %arg9: memref<2x!tpu.dma_semaphore, #tpu.memory_space<semaphore_mem>>, %arg10: memref<2x!tpu.dma_semaphore, #tpu.memory_space<semaphore_mem>>, %arg11: memref<2x!tpu.dma_semaphore, #tpu.memory_space<semaphore_mem>>) attributes {dimension_semantics = [#tpu.dimension_semantics<core_parallel>, #tpu.dimension_semantics<subcore_parallel>], iteration_bounds = array<i64: 2, 16>, scalar_prefetch = 0 : i64, scratch_operands = 6 : i64, tpu.core_type = #tpu.core_type<sc_vector_subcore>, window_params = [{transform_indices = #map}, {transform_indices = #map}, {transform_indices = #map1}, {transform_indices = #map2}]} {
    %mul3A = arith.constant 2 : i32
    %mul3A_0 = arith.muli %arg1, %mul3A : i32
    %add3A = arith.addi %mul3A_0, %arg0 : i32
    %eq3A = arith.constant 0 : i32
    %eq3A_1 = arith.cmpi eq, %arg0, %eq3A : i32
    %convert_element_type3A = arith.extui %eq3A_1 : i1 to i32
    %cond3A = arith.constant 0 : i32
    %cond3A_2 = arith.cmpi ne, %convert_element_type3A, %cond3A : i32
    scf.if %cond3A_2 {
      %lt3A_83 = arith.constant 15 : i32
      %lt3A_84 = arith.cmpi slt, %arg1, %lt3A_83 : i32
      %convert_element_type3A_85 = arith.extui %lt3A_84 : i1 to i32
      %cond3A_86 = arith.constant 0 : i32
      %cond3A_87 = arith.cmpi ne, %convert_element_type3A_85, %cond3A_86 : i32
      scf.if %cond3A_87 {
        %mul3A_93 = arith.constant 624 : i32
        %mul3A_94 = arith.muli %arg1, %mul3A_93 : i32
        "tpu.region"() ({
          %run_scoped3A = tpu.sem_alloc : memref<!tpu.dma_semaphore, #tpu.memory_space<semaphore_mem>>
          %dma_start3A_95 = arith.constant 0 : i32
          %dma_start3A_96 = tpu.memref_slice %arg8[%mul3A_94, %dma_start3A_95] : memref<10000x128xf32, #tpu.memory_space<vmem_shared>> -> memref<624x128xf32, #tpu.memory_space<vmem_shared>>
          %dma_start3A_97 = arith.constant 0 : i32
          %dma_start3A_98 = tpu.memref_slice %arg2[%mul3A_94, %dma_start3A_97] : memref<10000x128xf32, #tpu.memory_space<hbm>> -> memref<624x128xf32, #tpu.memory_space<hbm>>
          tpu.enqueue_dma source(%dma_start3A_98 : memref<624x128xf32, #tpu.memory_space<hbm>>) target(%dma_start3A_96 : memref<624x128xf32, #tpu.memory_space<vmem_shared>>) target_semaphore(%run_scoped3A : memref<!tpu.dma_semaphore, #tpu.memory_space<semaphore_mem>>)
          %dma_wait3A = arith.constant 0 : i32
          %dma_wait3A_99 = tpu.memref_slice %arg8[%mul3A_94, %dma_wait3A] : memref<10000x128xf32, #tpu.memory_space<vmem_shared>> -> memref<624x128xf32, #tpu.memory_space<vmem_shared>>
          %dma_wait3A_100 = arith.constant 0 : i32
          %dma_wait3A_101 = tpu.memref_slice %arg2[%mul3A_94, %dma_wait3A_100] : memref<10000x128xf32, #tpu.memory_space<hbm>> -> memref<624x128xf32, #tpu.memory_space<hbm>>
          tpu.wait_dma2 semaphore(%run_scoped3A : memref<!tpu.dma_semaphore, #tpu.memory_space<semaphore_mem>>) src(%dma_wait3A_101 : memref<624x128xf32, #tpu.memory_space<hbm>>) dst(%dma_wait3A_99 : memref<624x128xf32, #tpu.memory_space<vmem_shared>>)
          tpu.yield
        }) : () -> ()
      } else {
      }
      %eq3A_88 = arith.constant 15 : i32
      %eq3A_89 = arith.cmpi eq, %arg1, %eq3A_88 : i32
      %convert_element_type3A_90 = arith.extui %eq3A_89 : i1 to i32
      %cond3A_91 = arith.constant 0 : i32
      %cond3A_92 = arith.cmpi ne, %convert_element_type3A_90, %cond3A_91 : i32
      scf.if %cond3A_92 {
        "tpu.region"() ({
          %run_scoped3A = tpu.sem_alloc : memref<!tpu.dma_semaphore, #tpu.memory_space<semaphore_mem>>
          %dma_start3A_93 = arith.constant 9360 : i32
          %dma_start3A_94 = arith.constant 0 : i32
          %dma_start3A_95 = tpu.memref_slice %arg8[%dma_start3A_93, %dma_start3A_94] : memref<10000x128xf32, #tpu.memory_space<vmem_shared>> -> memref<640x128xf32, #tpu.memory_space<vmem_shared>>
          %dma_start3A_96 = arith.constant 9360 : i32
          %dma_start3A_97 = arith.constant 0 : i32
          %dma_start3A_98 = tpu.memref_slice %arg2[%dma_start3A_96, %dma_start3A_97] : memref<10000x128xf32, #tpu.memory_space<hbm>> -> memref<640x128xf32, #tpu.memory_space<hbm>>
          tpu.enqueue_dma source(%dma_start3A_98 : memref<640x128xf32, #tpu.memory_space<hbm>>) target(%dma_start3A_95 : memref<640x128xf32, #tpu.memory_space<vmem_shared>>) target_semaphore(%run_scoped3A : memref<!tpu.dma_semaphore, #tpu.memory_space<semaphore_mem>>)
          %dma_wait3A = arith.constant 9360 : i32
          %dma_wait3A_99 = arith.constant 0 : i32
          %dma_wait3A_100 = tpu.memref_slice %arg8[%dma_wait3A, %dma_wait3A_99] : memref<10000x128xf32, #tpu.memory_space<vmem_shared>> -> memref<640x128xf32, #tpu.memory_space<vmem_shared>>
          %dma_wait3A_101 = arith.constant 9360 : i32
          %dma_wait3A_102 = arith.constant 0 : i32
          %dma_wait3A_103 = tpu.memref_slice %arg2[%dma_wait3A_101, %dma_wait3A_102] : memref<10000x128xf32, #tpu.memory_space<hbm>> -> memref<640x128xf32, #tpu.memory_space<hbm>>
          tpu.wait_dma2 semaphore(%run_scoped3A : memref<!tpu.dma_semaphore, #tpu.memory_space<semaphore_mem>>) src(%dma_wait3A_103 : memref<640x128xf32, #tpu.memory_space<hbm>>) dst(%dma_wait3A_100 : memref<640x128xf32, #tpu.memory_space<vmem_shared>>)
          tpu.yield
        }) : () -> ()
      } else {
      }
    } else {
    }
    %eq3A_3 = arith.constant 1 : i32
    %eq3A_4 = arith.cmpi eq, %arg0, %eq3A_3 : i32
    %convert_element_type3A_5 = arith.extui %eq3A_4 : i1 to i32
    %cond3A_6 = arith.constant 0 : i32
    %cond3A_7 = arith.cmpi ne, %convert_element_type3A_5, %cond3A_6 : i32
    scf.if %cond3A_7 {
      %lt3A_83 = arith.constant 15 : i32
      %lt3A_84 = arith.cmpi slt, %arg1, %lt3A_83 : i32
      %convert_element_type3A_85 = arith.extui %lt3A_84 : i1 to i32
      %cond3A_86 = arith.constant 0 : i32
      %cond3A_87 = arith.cmpi ne, %convert_element_type3A_85, %cond3A_86 : i32
      scf.if %cond3A_87 {
        %mul3A_93 = arith.constant 624 : i32
        %mul3A_94 = arith.muli %arg1, %mul3A_93 : i32
        "tpu.region"() ({
          %run_scoped3A = tpu.sem_alloc : memref<!tpu.dma_semaphore, #tpu.memory_space<semaphore_mem>>
          %dma_start3A_95 = arith.constant 0 : i32
          %dma_start3A_96 = tpu.memref_slice %arg8[%mul3A_94, %dma_start3A_95] : memref<10000x128xf32, #tpu.memory_space<vmem_shared>> -> memref<624x128xf32, #tpu.memory_space<vmem_shared>>
          %dma_start3A_97 = arith.constant 0 : i32
          %dma_start3A_98 = tpu.memref_slice %arg3[%mul3A_94, %dma_start3A_97] : memref<10000x128xf32, #tpu.memory_space<hbm>> -> memref<624x128xf32, #tpu.memory_space<hbm>>
          tpu.enqueue_dma source(%dma_start3A_98 : memref<624x128xf32, #tpu.memory_space<hbm>>) target(%dma_start3A_96 : memref<624x128xf32, #tpu.memory_space<vmem_shared>>) target_semaphore(%run_scoped3A : memref<!tpu.dma_semaphore, #tpu.memory_space<semaphore_mem>>)
          %dma_wait3A = arith.constant 0 : i32
          %dma_wait3A_99 = tpu.memref_slice %arg8[%mul3A_94, %dma_wait3A] : memref<10000x128xf32, #tpu.memory_space<vmem_shared>> -> memref<624x128xf32, #tpu.memory_space<vmem_shared>>
          %dma_wait3A_100 = arith.constant 0 : i32
          %dma_wait3A_101 = tpu.memref_slice %arg3[%mul3A_94, %dma_wait3A_100] : memref<10000x128xf32, #tpu.memory_space<hbm>> -> memref<624x128xf32, #tpu.memory_space<hbm>>
          tpu.wait_dma2 semaphore(%run_scoped3A : memref<!tpu.dma_semaphore, #tpu.memory_space<semaphore_mem>>) src(%dma_wait3A_101 : memref<624x128xf32, #tpu.memory_space<hbm>>) dst(%dma_wait3A_99 : memref<624x128xf32, #tpu.memory_space<vmem_shared>>)
          tpu.yield
        }) : () -> ()
      } else {
      }
      %eq3A_88 = arith.constant 15 : i32
      %eq3A_89 = arith.cmpi eq, %arg1, %eq3A_88 : i32
      %convert_element_type3A_90 = arith.extui %eq3A_89 : i1 to i32
      %cond3A_91 = arith.constant 0 : i32
      %cond3A_92 = arith.cmpi ne, %convert_element_type3A_90, %cond3A_91 : i32
      scf.if %cond3A_92 {
        "tpu.region"() ({
          %run_scoped3A = tpu.sem_alloc : memref<!tpu.dma_semaphore, #tpu.memory_space<semaphore_mem>>
          %dma_start3A_93 = arith.constant 9360 : i32
          %dma_start3A_94 = arith.constant 0 : i32
          %dma_start3A_95 = tpu.memref_slice %arg8[%dma_start3A_93, %dma_start3A_94] : memref<10000x128xf32, #tpu.memory_space<vmem_shared>> -> memref<640x128xf32, #tpu.memory_space<vmem_shared>>
          %dma_start3A_96 = arith.constant 9360 : i32
          %dma_start3A_97 = arith.constant 0 : i32
          %dma_start3A_98 = tpu.memref_slice %arg3[%dma_start3A_96, %dma_start3A_97] : memref<10000x128xf32, #tpu.memory_space<hbm>> -> memref<640x128xf32, #tpu.memory_space<hbm>>
          tpu.enqueue_dma source(%dma_start3A_98 : memref<640x128xf32, #tpu.memory_space<hbm>>) target(%dma_start3A_95 : memref<640x128xf32, #tpu.memory_space<vmem_shared>>) target_semaphore(%run_scoped3A : memref<!tpu.dma_semaphore, #tpu.memory_space<semaphore_mem>>)
          %dma_wait3A = arith.constant 9360 : i32
          %dma_wait3A_99 = arith.constant 0 : i32
          %dma_wait3A_100 = tpu.memref_slice %arg8[%dma_wait3A, %dma_wait3A_99] : memref<10000x128xf32, #tpu.memory_space<vmem_shared>> -> memref<640x128xf32, #tpu.memory_space<vmem_shared>>
          %dma_wait3A_101 = arith.constant 9360 : i32
          %dma_wait3A_102 = arith.constant 0 : i32
          %dma_wait3A_103 = tpu.memref_slice %arg3[%dma_wait3A_101, %dma_wait3A_102] : memref<10000x128xf32, #tpu.memory_space<hbm>> -> memref<640x128xf32, #tpu.memory_space<hbm>>
          tpu.wait_dma2 semaphore(%run_scoped3A : memref<!tpu.dma_semaphore, #tpu.memory_space<semaphore_mem>>) src(%dma_wait3A_103 : memref<640x128xf32, #tpu.memory_space<hbm>>) dst(%dma_wait3A_100 : memref<640x128xf32, #tpu.memory_space<vmem_shared>>)
          tpu.yield
        }) : () -> ()
      } else {
      }
    } else {
    }
    %dma_start3A = arith.constant 0 : i32
    %dma_start3A_8 = arith.constant 0 : i32
    %dma_start3A_9 = arith.constant 0 : i32
    %dma_start3A_10 = arith.constant 0 : i32
    %dma_start3A_11 = arith.constant 0 : i32
    %dma_start3A_12 = tpu.memref_slice %arg6[%dma_start3A_8, %dma_start3A_10, %dma_start3A_11] : memref<2x2x100xi32, #tpu.memory_space<vmem>> -> memref<1x2x100xi32, #tpu.memory_space<vmem>>
    %dma_start3A_13 = tpu.memref_squeeze %dma_start3A_12 : memref<1x2x100xi32, #tpu.memory_space<vmem>> -> memref<2x100xi32, #tpu.memory_space<vmem>>
    %dma_start3A_14 = arith.constant 0 : i32
    %dma_start3A_15 = arith.constant 0 : i32
    %dma_start3A_16 = arith.constant 0 : i32
    %dma_start3A_17 = tpu.memref_slice %arg4[%add3A, %dma_start3A_14, %dma_start3A_15, %dma_start3A_16] : memref<32x100x2x100xi32, #tpu.memory_space<hbm>> -> memref<1x100x2x100xi32, #tpu.memory_space<hbm>>
    %dma_start3A_18 = tpu.memref_squeeze %dma_start3A_17 : memref<1x100x2x100xi32, #tpu.memory_space<hbm>> -> memref<100x2x100xi32, #tpu.memory_space<hbm>>
    %dma_start3A_19 = arith.constant 0 : i32
    %dma_start3A_20 = arith.constant 0 : i32
    %dma_start3A_21 = tpu.memref_slice %dma_start3A_18[%dma_start3A, %dma_start3A_19, %dma_start3A_20] : memref<100x2x100xi32, #tpu.memory_space<hbm>> -> memref<1x2x100xi32, #tpu.memory_space<hbm>>
    %dma_start3A_22 = tpu.memref_squeeze %dma_start3A_21 : memref<1x2x100xi32, #tpu.memory_space<hbm>> -> memref<2x100xi32, #tpu.memory_space<hbm>>
    %dma_start3A_23 = tpu.memref_slice %arg9[%dma_start3A_9] : memref<2x!tpu.dma_semaphore, #tpu.memory_space<semaphore_mem>> -> memref<1x!tpu.dma_semaphore, #tpu.memory_space<semaphore_mem>>
    %dma_start3A_24 = tpu.memref_squeeze %dma_start3A_23 : memref<1x!tpu.dma_semaphore, #tpu.memory_space<semaphore_mem>> -> memref<!tpu.dma_semaphore, #tpu.memory_space<semaphore_mem>>
    %dma_start3A_25 = arith.constant 0 : i32
    %dma_start3A_26 = arith.constant 0 : i32
    %dma_start3A_27 = tpu.memref_slice %arg6[%dma_start3A_8, %dma_start3A_25, %dma_start3A_26] : memref<2x2x100xi32, #tpu.memory_space<vmem>> -> memref<1x2x100xi32, #tpu.memory_space<vmem>>
    %dma_start3A_28 = tpu.memref_squeeze %dma_start3A_27 : memref<1x2x100xi32, #tpu.memory_space<vmem>> -> memref<2x100xi32, #tpu.memory_space<vmem>>
    %dma_start3A_29 = arith.constant 0 : i32
    %dma_start3A_30 = arith.constant 0 : i32
    %dma_start3A_31 = arith.constant 0 : i32
    %dma_start3A_32 = tpu.memref_slice %arg4[%add3A, %dma_start3A_29, %dma_start3A_30, %dma_start3A_31] : memref<32x100x2x100xi32, #tpu.memory_space<hbm>> -> memref<1x100x2x100xi32, #tpu.memory_space<hbm>>
    %dma_start3A_33 = tpu.memref_squeeze %dma_start3A_32 : memref<1x100x2x100xi32, #tpu.memory_space<hbm>> -> memref<100x2x100xi32, #tpu.memory_space<hbm>>
    %dma_start3A_34 = arith.constant 0 : i32
    %dma_start3A_35 = arith.constant 0 : i32
    %dma_start3A_36 = tpu.memref_slice %dma_start3A_33[%dma_start3A, %dma_start3A_34, %dma_start3A_35] : memref<100x2x100xi32, #tpu.memory_space<hbm>> -> memref<1x2x100xi32, #tpu.memory_space<hbm>>
    %dma_start3A_37 = tpu.memref_squeeze %dma_start3A_36 : memref<1x2x100xi32, #tpu.memory_space<hbm>> -> memref<2x100xi32, #tpu.memory_space<hbm>>
    tpu.enqueue_dma source(%dma_start3A_37 : memref<2x100xi32, #tpu.memory_space<hbm>>) target(%dma_start3A_28 : memref<2x100xi32, #tpu.memory_space<vmem>>) target_semaphore(%dma_start3A_24 : memref<!tpu.dma_semaphore, #tpu.memory_space<semaphore_mem>>)
    %dma_start3A_38 = arith.constant 1 : i32
    %dma_start3A_39 = arith.constant 1 : i32
    %dma_start3A_40 = arith.constant 1 : i32
    %dma_start3A_41 = arith.constant 0 : i32
    %dma_start3A_42 = arith.constant 0 : i32
    %dma_start3A_43 = tpu.memref_slice %arg6[%dma_start3A_39, %dma_start3A_41, %dma_start3A_42] : memref<2x2x100xi32, #tpu.memory_space<vmem>> -> memref<1x2x100xi32, #tpu.memory_space<vmem>>
    %dma_start3A_44 = tpu.memref_squeeze %dma_start3A_43 : memref<1x2x100xi32, #tpu.memory_space<vmem>> -> memref<2x100xi32, #tpu.memory_space<vmem>>
    %dma_start3A_45 = arith.constant 0 : i32
    %dma_start3A_46 = arith.constant 0 : i32
    %dma_start3A_47 = arith.constant 0 : i32
    %dma_start3A_48 = tpu.memref_slice %arg4[%add3A, %dma_start3A_45, %dma_start3A_46, %dma_start3A_47] : memref<32x100x2x100xi32, #tpu.memory_space<hbm>> -> memref<1x100x2x100xi32, #tpu.memory_space<hbm>>
    %dma_start3A_49 = tpu.memref_squeeze %dma_start3A_48 : memref<1x100x2x100xi32, #tpu.memory_space<hbm>> -> memref<100x2x100xi32, #tpu.memory_space<hbm>>
    %dma_start3A_50 = arith.constant 0 : i32
    %dma_start3A_51 = arith.constant 0 : i32
    %dma_start3A_52 = tpu.memref_slice %dma_start3A_49[%dma_start3A_38, %dma_start3A_50, %dma_start3A_51] : memref<100x2x100xi32, #tpu.memory_space<hbm>> -> memref<1x2x100xi32, #tpu.memory_space<hbm>>
    %dma_start3A_53 = tpu.memref_squeeze %dma_start3A_52 : memref<1x2x100xi32, #tpu.memory_space<hbm>> -> memref<2x100xi32, #tpu.memory_space<hbm>>
    %dma_start3A_54 = tpu.memref_slice %arg9[%dma_start3A_40] : memref<2x!tpu.dma_semaphore, #tpu.memory_space<semaphore_mem>> -> memref<1x!tpu.dma_semaphore, #tpu.memory_space<semaphore_mem>>
    %dma_start3A_55 = tpu.memref_squeeze %dma_start3A_54 : memref<1x!tpu.dma_semaphore, #tpu.memory_space<semaphore_mem>> -> memref<!tpu.dma_semaphore, #tpu.memory_space<semaphore_mem>>
    %dma_start3A_56 = arith.constant 0 : i32
    %dma_start3A_57 = arith.constant 0 : i32
    %dma_start3A_58 = tpu.memref_slice %arg6[%dma_start3A_39, %dma_start3A_56, %dma_start3A_57] : memref<2x2x100xi32, #tpu.memory_space<vmem>> -> memref<1x2x100xi32, #tpu.memory_space<vmem>>
    %dma_start3A_59 = tpu.memref_squeeze %dma_start3A_58 : memref<1x2x100xi32, #tpu.memory_space<vmem>> -> memref<2x100xi32, #tpu.memory_space<vmem>>
    %dma_start3A_60 = arith.constant 0 : i32
    %dma_start3A_61 = arith.constant 0 : i32
    %dma_start3A_62 = arith.constant 0 : i32
    %dma_start3A_63 = tpu.memref_slice %arg4[%add3A, %dma_start3A_60, %dma_start3A_61, %dma_start3A_62] : memref<32x100x2x100xi32, #tpu.memory_space<hbm>> -> memref<1x100x2x100xi32, #tpu.memory_space<hbm>>
    %dma_start3A_64 = tpu.memref_squeeze %dma_start3A_63 : memref<1x100x2x100xi32, #tpu.memory_space<hbm>> -> memref<100x2x100xi32, #tpu.memory_space<hbm>>
    %dma_start3A_65 = arith.constant 0 : i32
    %dma_start3A_66 = arith.constant 0 : i32
    %dma_start3A_67 = tpu.memref_slice %dma_start3A_64[%dma_start3A_38, %dma_start3A_65, %dma_start3A_66] : memref<100x2x100xi32, #tpu.memory_space<hbm>> -> memref<1x2x100xi32, #tpu.memory_space<hbm>>
    %dma_start3A_68 = tpu.memref_squeeze %dma_start3A_67 : memref<1x2x100xi32, #tpu.memory_space<hbm>> -> memref<2x100xi32, #tpu.memory_space<hbm>>
    tpu.enqueue_dma source(%dma_start3A_68 : memref<2x100xi32, #tpu.memory_space<hbm>>) target(%dma_start3A_59 : memref<2x100xi32, #tpu.memory_space<vmem>>) target_semaphore(%dma_start3A_55 : memref<!tpu.dma_semaphore, #tpu.memory_space<semaphore_mem>>)
    %barrier3A = arith.constant 0 : index
    tpu.barrier barrier_id(%barrier3A)
    %scan3A = arith.constant 0 : i32
    %scan3A_69 = arith.constant 50 : i32
    %scan3A_70 = arith.addi %scan3A, %scan3A_69 : i32
    %scan3A_71 = arith.constant 1 : i32
    scf.for %scan3A_83 = %scan3A to %scan3A_70 step %scan3A_71  : i32 {
      %mul3A_84 = arith.constant 1 : i32
      %mul3A_85 = arith.muli %scan3A_83, %mul3A_84 : i32
      %add3A_86 = arith.constant 0 : i32
      %add3A_87 = arith.addi %add3A_86, %mul3A_85 : i32
      %mul3A_88 = arith.constant 2 : i32
      %mul3A_89 = arith.muli %add3A_87, %mul3A_88 : i32
      %add3A_90 = arith.constant 0 : i32
      %add3A_91 = arith.addi %mul3A_89, %add3A_90 : i32
      %dma_wait3A = arith.constant 0 : i32
      %dma_wait3A_92 = arith.constant 0 : i32
      %dma_wait3A_93 = arith.constant 0 : i32
      %dma_wait3A_94 = arith.constant 0 : i32
      %dma_wait3A_95 = tpu.memref_slice %arg6[%dma_wait3A, %dma_wait3A_93, %dma_wait3A_94] : memref<2x2x100xi32, #tpu.memory_space<vmem>> -> memref<1x2x100xi32, #tpu.memory_space<vmem>>
      %dma_wait3A_96 = tpu.memref_squeeze %dma_wait3A_95 : memref<1x2x100xi32, #tpu.memory_space<vmem>> -> memref<2x100xi32, #tpu.memory_space<vmem>>
      %dma_wait3A_97 = arith.constant 0 : i32
      %dma_wait3A_98 = arith.constant 0 : i32
      %dma_wait3A_99 = arith.constant 0 : i32
      %dma_wait3A_100 = tpu.memref_slice %arg4[%add3A, %dma_wait3A_97, %dma_wait3A_98, %dma_wait3A_99] : memref<32x100x2x100xi32, #tpu.memory_space<hbm>> -> memref<1x100x2x100xi32, #tpu.memory_space<hbm>>
      %dma_wait3A_101 = tpu.memref_squeeze %dma_wait3A_100 : memref<1x100x2x100xi32, #tpu.memory_space<hbm>> -> memref<100x2x100xi32, #tpu.memory_space<hbm>>
      %dma_wait3A_102 = arith.constant 0 : i32
      %dma_wait3A_103 = arith.constant 0 : i32
      %dma_wait3A_104 = tpu.memref_slice %dma_wait3A_101[%add3A_91, %dma_wait3A_102, %dma_wait3A_103] : memref<100x2x100xi32, #tpu.memory_space<hbm>> -> memref<1x2x100xi32, #tpu.memory_space<hbm>>
      %dma_wait3A_105 = tpu.memref_squeeze %dma_wait3A_104 : memref<1x2x100xi32, #tpu.memory_space<hbm>> -> memref<2x100xi32, #tpu.memory_space<hbm>>
      %dma_wait3A_106 = tpu.memref_slice %arg9[%dma_wait3A_92] : memref<2x!tpu.dma_semaphore, #tpu.memory_space<semaphore_mem>> -> memref<1x!tpu.dma_semaphore, #tpu.memory_space<semaphore_mem>>
      %dma_wait3A_107 = tpu.memref_squeeze %dma_wait3A_106 : memref<1x!tpu.dma_semaphore, #tpu.memory_space<semaphore_mem>> -> memref<!tpu.dma_semaphore, #tpu.memory_space<semaphore_mem>>
      %dma_wait3A_108 = arith.constant 0 : i32
      %dma_wait3A_109 = arith.constant 0 : i32
      %dma_wait3A_110 = tpu.memref_slice %arg6[%dma_wait3A, %dma_wait3A_108, %dma_wait3A_109] : memref<2x2x100xi32, #tpu.memory_space<vmem>> -> memref<1x2x100xi32, #tpu.memory_space<vmem>>
      %dma_wait3A_111 = tpu.memref_squeeze %dma_wait3A_110 : memref<1x2x100xi32, #tpu.memory_space<vmem>> -> memref<2x100xi32, #tpu.memory_space<vmem>>
      %dma_wait3A_112 = arith.constant 0 : i32
      %dma_wait3A_113 = arith.constant 0 : i32
      %dma_wait3A_114 = arith.constant 0 : i32
      %dma_wait3A_115 = tpu.memref_slice %arg4[%add3A, %dma_wait3A_112, %dma_wait3A_113, %dma_wait3A_114] : memref<32x100x2x100xi32, #tpu.memory_space<hbm>> -> memref<1x100x2x100xi32, #tpu.memory_space<hbm>>
      %dma_wait3A_116 = tpu.memref_squeeze %dma_wait3A_115 : memref<1x100x2x100xi32, #tpu.memory_space<hbm>> -> memref<100x2x100xi32, #tpu.memory_space<hbm>>
      %dma_wait3A_117 = arith.constant 0 : i32
      %dma_wait3A_118 = arith.constant 0 : i32
      %dma_wait3A_119 = tpu.memref_slice %dma_wait3A_116[%add3A_91, %dma_wait3A_117, %dma_wait3A_118] : memref<100x2x100xi32, #tpu.memory_space<hbm>> -> memref<1x2x100xi32, #tpu.memory_space<hbm>>
      %dma_wait3A_120 = tpu.memref_squeeze %dma_wait3A_119 : memref<1x2x100xi32, #tpu.memory_space<hbm>> -> memref<2x100xi32, #tpu.memory_space<hbm>>
      tpu.wait_dma2 semaphore(%dma_wait3A_107 : memref<!tpu.dma_semaphore, #tpu.memory_space<semaphore_mem>>) src(%dma_wait3A_120 : memref<2x100xi32, #tpu.memory_space<hbm>>) dst(%dma_wait3A_111 : memref<2x100xi32, #tpu.memory_space<vmem>>)
      %dma_start3A_121 = arith.constant 0 : i32
      %dma_start3A_122 = arith.constant 0 : i32
      %dma_start3A_123 = arith.constant 0 : i32
      %dma_start3A_124 = arith.constant 0 : i32
      %dma_start3A_125 = arith.constant 0 : i32
      %dma_start3A_126 = arith.constant 0 : i32
      %dma_start3A_127 = tpu.memref_slice %arg7[%dma_start3A_123, %dma_start3A_125, %dma_start3A_126] : memref<2x100x128xf32, #tpu.memory_space<vmem>> -> memref<1x100x128xf32, #tpu.memory_space<vmem>>
      %dma_start3A_128 = tpu.memref_squeeze %dma_start3A_127 : memref<1x100x128xf32, #tpu.memory_space<vmem>> -> memref<100x128xf32, #tpu.memory_space<vmem>>
      %dma_start3A_129 = arith.constant 0 : i32
      %dma_start3A_130 = arith.constant 0 : i32
      %dma_start3A_131 = tpu.memref_slice %arg6[%dma_start3A_121, %dma_start3A_129, %dma_start3A_130] : memref<2x2x100xi32, #tpu.memory_space<vmem>> -> memref<1x2x100xi32, #tpu.memory_space<vmem>>
      %dma_start3A_132 = tpu.memref_squeeze %dma_start3A_131 : memref<1x2x100xi32, #tpu.memory_space<vmem>> -> memref<2x100xi32, #tpu.memory_space<vmem>>
      %dma_start3A_133 = arith.constant 0 : i32
      %dma_start3A_134 = tpu.memref_slice %dma_start3A_132[%dma_start3A_122, %dma_start3A_133] : memref<2x100xi32, #tpu.memory_space<vmem>> -> memref<1x100xi32, #tpu.memory_space<vmem>>
      %dma_start3A_135 = tpu.memref_squeeze %dma_start3A_134 : memref<1x100xi32, #tpu.memory_space<vmem>> -> memref<100xi32, #tpu.memory_space<vmem>>
      %dma_start3A_136 = arith.constant 0 : i32
      %dma_start3A_137 = arith.constant 0 : i32
      %dma_start3A_138 = tpu.memref_slice %arg2[%dma_start3A_136, %dma_start3A_137] : memref<10000x128xf32, #tpu.memory_space<hbm>> -> memref<10000x128xf32, #tpu.memory_space<hbm>>
      %dma_start3A_139 = tpu.memref_slice %arg10[%dma_start3A_124] : memref<2x!tpu.dma_semaphore, #tpu.memory_space<semaphore_mem>> -> memref<1x!tpu.dma_semaphore, #tpu.memory_space<semaphore_mem>>
      %dma_start3A_140 = tpu.memref_squeeze %dma_start3A_139 : memref<1x!tpu.dma_semaphore, #tpu.memory_space<semaphore_mem>> -> memref<!tpu.dma_semaphore, #tpu.memory_space<semaphore_mem>>
      tpu.enqueue_indirect_dma source(%dma_start3A_138 : memref<10000x128xf32, #tpu.memory_space<hbm>>) target(%dma_start3A_128 : memref<100x128xf32, #tpu.memory_space<vmem>>) offsets(%dma_start3A_135 : memref<100xi32, #tpu.memory_space<vmem>>) semaphore(%dma_start3A_140 : memref<!tpu.dma_semaphore, #tpu.memory_space<semaphore_mem>>)
      %add3A_141 = arith.constant 1 : i32
      %add3A_142 = arith.addi %mul3A_89, %add3A_141 : i32
      %dma_wait3A_143 = arith.constant 1 : i32
      %dma_wait3A_144 = arith.constant 1 : i32
      %dma_wait3A_145 = arith.constant 0 : i32
      %dma_wait3A_146 = arith.constant 0 : i32
      %dma_wait3A_147 = tpu.memref_slice %arg6[%dma_wait3A_143, %dma_wait3A_145, %dma_wait3A_146] : memref<2x2x100xi32, #tpu.memory_space<vmem>> -> memref<1x2x100xi32, #tpu.memory_space<vmem>>
      %dma_wait3A_148 = tpu.memref_squeeze %dma_wait3A_147 : memref<1x2x100xi32, #tpu.memory_space<vmem>> -> memref<2x100xi32, #tpu.memory_space<vmem>>
      %dma_wait3A_149 = arith.constant 0 : i32
      %dma_wait3A_150 = arith.constant 0 : i32
      %dma_wait3A_151 = arith.constant 0 : i32
      %dma_wait3A_152 = tpu.memref_slice %arg4[%add3A, %dma_wait3A_149, %dma_wait3A_150, %dma_wait3A_151] : memref<32x100x2x100xi32, #tpu.memory_space<hbm>> -> memref<1x100x2x100xi32, #tpu.memory_space<hbm>>
      %dma_wait3A_153 = tpu.memref_squeeze %dma_wait3A_152 : memref<1x100x2x100xi32, #tpu.memory_space<hbm>> -> memref<100x2x100xi32, #tpu.memory_space<hbm>>
      %dma_wait3A_154 = arith.constant 0 : i32
      %dma_wait3A_155 = arith.constant 0 : i32
      %dma_wait3A_156 = tpu.memref_slice %dma_wait3A_153[%add3A_142, %dma_wait3A_154, %dma_wait3A_155] : memref<100x2x100xi32, #tpu.memory_space<hbm>> -> memref<1x2x100xi32, #tpu.memory_space<hbm>>
      %dma_wait3A_157 = tpu.memref_squeeze %dma_wait3A_156 : memref<1x2x100xi32, #tpu.memory_space<hbm>> -> memref<2x100xi32, #tpu.memory_space<hbm>>
      %dma_wait3A_158 = tpu.memref_slice %arg9[%dma_wait3A_144] : memref<2x!tpu.dma_semaphore, #tpu.memory_space<semaphore_mem>> -> memref<1x!tpu.dma_semaphore, #tpu.memory_space<semaphore_mem>>
      %dma_wait3A_159 = tpu.memref_squeeze %dma_wait3A_158 : memref<1x!tpu.dma_semaphore, #tpu.memory_space<semaphore_mem>> -> memref<!tpu.dma_semaphore, #tpu.memory_space<semaphore_mem>>
      %dma_wait3A_160 = arith.constant 0 : i32
      %dma_wait3A_161 = arith.constant 0 : i32
      %dma_wait3A_162 = tpu.memref_slice %arg6[%dma_wait3A_143, %dma_wait3A_160, %dma_wait3A_161] : memref<2x2x100xi32, #tpu.memory_space<vmem>> -> memref<1x2x100xi32, #tpu.memory_space<vmem>>
      %dma_wait3A_163 = tpu.memref_squeeze %dma_wait3A_162 : memref<1x2x100xi32, #tpu.memory_space<vmem>> -> memref<2x100xi32, #tpu.memory_space<vmem>>
      %dma_wait3A_164 = arith.constant 0 : i32
      %dma_wait3A_165 = arith.constant 0 : i32
      %dma_wait3A_166 = arith.constant 0 : i32
      %dma_wait3A_167 = tpu.memref_slice %arg4[%add3A, %dma_wait3A_164, %dma_wait3A_165, %dma_wait3A_166] : memref<32x100x2x100xi32, #tpu.memory_space<hbm>> -> memref<1x100x2x100xi32, #tpu.memory_space<hbm>>
      %dma_wait3A_168 = tpu.memref_squeeze %dma_wait3A_167 : memref<1x100x2x100xi32, #tpu.memory_space<hbm>> -> memref<100x2x100xi32, #tpu.memory_space<hbm>>
      %dma_wait3A_169 = arith.constant 0 : i32
      %dma_wait3A_170 = arith.constant 0 : i32
      %dma_wait3A_171 = tpu.memref_slice %dma_wait3A_168[%add3A_142, %dma_wait3A_169, %dma_wait3A_170] : memref<100x2x100xi32, #tpu.memory_space<hbm>> -> memref<1x2x100xi32, #tpu.memory_space<hbm>>
      %dma_wait3A_172 = tpu.memref_squeeze %dma_wait3A_171 : memref<1x2x100xi32, #tpu.memory_space<hbm>> -> memref<2x100xi32, #tpu.memory_space<hbm>>
      tpu.wait_dma2 semaphore(%dma_wait3A_159 : memref<!tpu.dma_semaphore, #tpu.memory_space<semaphore_mem>>) src(%dma_wait3A_172 : memref<2x100xi32, #tpu.memory_space<hbm>>) dst(%dma_wait3A_163 : memref<2x100xi32, #tpu.memory_space<vmem>>)
      %dma_start3A_173 = arith.constant 1 : i32
      %dma_start3A_174 = arith.constant 0 : i32
      %dma_start3A_175 = arith.constant 1 : i32
      %dma_start3A_176 = arith.constant 1 : i32
      %dma_start3A_177 = arith.constant 0 : i32
      %dma_start3A_178 = arith.constant 0 : i32
      %dma_start3A_179 = tpu.memref_slice %arg7[%dma_start3A_175, %dma_start3A_177, %dma_start3A_178] : memref<2x100x128xf32, #tpu.memory_space<vmem>> -> memref<1x100x128xf32, #tpu.memory_space<vmem>>
      %dma_start3A_180 = tpu.memref_squeeze %dma_start3A_179 : memref<1x100x128xf32, #tpu.memory_space<vmem>> -> memref<100x128xf32, #tpu.memory_space<vmem>>
      %dma_start3A_181 = arith.constant 0 : i32
      %dma_start3A_182 = arith.constant 0 : i32
      %dma_start3A_183 = tpu.memref_slice %arg6[%dma_start3A_173, %dma_start3A_181, %dma_start3A_182] : memref<2x2x100xi32, #tpu.memory_space<vmem>> -> memref<1x2x100xi32, #tpu.memory_space<vmem>>
      %dma_start3A_184 = tpu.memref_squeeze %dma_start3A_183 : memref<1x2x100xi32, #tpu.memory_space<vmem>> -> memref<2x100xi32, #tpu.memory_space<vmem>>
      %dma_start3A_185 = arith.constant 0 : i32
      %dma_start3A_186 = tpu.memref_slice %dma_start3A_184[%dma_start3A_174, %dma_start3A_185] : memref<2x100xi32, #tpu.memory_space<vmem>> -> memref<1x100xi32, #tpu.memory_space<vmem>>
      %dma_start3A_187 = tpu.memref_squeeze %dma_start3A_186 : memref<1x100xi32, #tpu.memory_space<vmem>> -> memref<100xi32, #tpu.memory_space<vmem>>
      %dma_start3A_188 = arith.constant 0 : i32
      %dma_start3A_189 = arith.constant 0 : i32
      %dma_start3A_190 = tpu.memref_slice %arg2[%dma_start3A_188, %dma_start3A_189] : memref<10000x128xf32, #tpu.memory_space<hbm>> -> memref<10000x128xf32, #tpu.memory_space<hbm>>
      %dma_start3A_191 = tpu.memref_slice %arg10[%dma_start3A_176] : memref<2x!tpu.dma_semaphore, #tpu.memory_space<semaphore_mem>> -> memref<1x!tpu.dma_semaphore, #tpu.memory_space<semaphore_mem>>
      %dma_start3A_192 = tpu.memref_squeeze %dma_start3A_191 : memref<1x!tpu.dma_semaphore, #tpu.memory_space<semaphore_mem>> -> memref<!tpu.dma_semaphore, #tpu.memory_space<semaphore_mem>>
      tpu.enqueue_indirect_dma source(%dma_start3A_190 : memref<10000x128xf32, #tpu.memory_space<hbm>>) target(%dma_start3A_180 : memref<100x128xf32, #tpu.memory_space<vmem>>) offsets(%dma_start3A_187 : memref<100xi32, #tpu.memory_space<vmem>>) semaphore(%dma_start3A_192 : memref<!tpu.dma_semaphore, #tpu.memory_space<semaphore_mem>>)
      %dma_wait3A_193 = arith.constant 0 : i32
      %dma_wait3A_194 = arith.constant 0 : i32
      %dma_wait3A_195 = arith.constant 0 : i32
      %dma_wait3A_196 = arith.constant 0 : i32
      %dma_wait3A_197 = arith.constant 0 : i32
      %dma_wait3A_198 = arith.constant 0 : i32
      %dma_wait3A_199 = tpu.memref_slice %arg7[%dma_wait3A_195, %dma_wait3A_197, %dma_wait3A_198] : memref<2x100x128xf32, #tpu.memory_space<vmem>> -> memref<1x100x128xf32, #tpu.memory_space<vmem>>
      %dma_wait3A_200 = tpu.memref_squeeze %dma_wait3A_199 : memref<1x100x128xf32, #tpu.memory_space<vmem>> -> memref<100x128xf32, #tpu.memory_space<vmem>>
      %dma_wait3A_201 = arith.constant 0 : i32
      %dma_wait3A_202 = arith.constant 0 : i32
      %dma_wait3A_203 = tpu.memref_slice %arg6[%dma_wait3A_193, %dma_wait3A_201, %dma_wait3A_202] : memref<2x2x100xi32, #tpu.memory_space<vmem>> -> memref<1x2x100xi32, #tpu.memory_space<vmem>>
      %dma_wait3A_204 = tpu.memref_squeeze %dma_wait3A_203 : memref<1x2x100xi32, #tpu.memory_space<vmem>> -> memref<2x100xi32, #tpu.memory_space<vmem>>
      %dma_wait3A_205 = arith.constant 0 : i32
      %dma_wait3A_206 = tpu.memref_slice %dma_wait3A_204[%dma_wait3A_194, %dma_wait3A_205] : memref<2x100xi32, #tpu.memory_space<vmem>> -> memref<1x100xi32, #tpu.memory_space<vmem>>
      %dma_wait3A_207 = tpu.memref_squeeze %dma_wait3A_206 : memref<1x100xi32, #tpu.memory_space<vmem>> -> memref<100xi32, #tpu.memory_space<vmem>>
      %dma_wait3A_208 = arith.constant 0 : i32
      %dma_wait3A_209 = arith.constant 0 : i32
      %dma_wait3A_210 = tpu.memref_slice %arg2[%dma_wait3A_208, %dma_wait3A_209] : memref<10000x128xf32, #tpu.memory_space<hbm>> -> memref<10000x128xf32, #tpu.memory_space<hbm>>
      %dma_wait3A_211 = tpu.memref_slice %arg10[%dma_wait3A_196] : memref<2x!tpu.dma_semaphore, #tpu.memory_space<semaphore_mem>> -> memref<1x!tpu.dma_semaphore, #tpu.memory_space<semaphore_mem>>
      %dma_wait3A_212 = tpu.memref_squeeze %dma_wait3A_211 : memref<1x!tpu.dma_semaphore, #tpu.memory_space<semaphore_mem>> -> memref<!tpu.dma_semaphore, #tpu.memory_space<semaphore_mem>>
      tpu.wait_indirect_dma semaphore(%dma_wait3A_212 : memref<!tpu.dma_semaphore, #tpu.memory_space<semaphore_mem>>) src(%dma_wait3A_210 : memref<10000x128xf32, #tpu.memory_space<hbm>>) dst(%dma_wait3A_200 : memref<100x128xf32, #tpu.memory_space<vmem>>)
      %dma_start3A_213 = arith.constant 0 : i32
      %dma_start3A_214 = arith.constant 0 : i32
      %dma_start3A_215 = arith.constant 1 : i32
      %dma_start3A_216 = arith.constant 0 : i32
      %dma_start3A_217 = arith.constant 0 : i32
      %dma_start3A_218 = arith.constant 0 : i32
      %dma_start3A_219 = tpu.memref_slice %arg7[%dma_start3A_213, %dma_start3A_217, %dma_start3A_218] : memref<2x100x128xf32, #tpu.memory_space<vmem>> -> memref<1x100x128xf32, #tpu.memory_space<vmem>>
      %dma_start3A_220 = tpu.memref_squeeze %dma_start3A_219 : memref<1x100x128xf32, #tpu.memory_space<vmem>> -> memref<100x128xf32, #tpu.memory_space<vmem>>
      %dma_start3A_221 = arith.constant 0 : i32
      %dma_start3A_222 = arith.constant 0 : i32
      %dma_start3A_223 = tpu.memref_slice %arg6[%dma_start3A_214, %dma_start3A_221, %dma_start3A_222] : memref<2x2x100xi32, #tpu.memory_space<vmem>> -> memref<1x2x100xi32, #tpu.memory_space<vmem>>
      %dma_start3A_224 = tpu.memref_squeeze %dma_start3A_223 : memref<1x2x100xi32, #tpu.memory_space<vmem>> -> memref<2x100xi32, #tpu.memory_space<vmem>>
      %dma_start3A_225 = arith.constant 0 : i32
      %dma_start3A_226 = tpu.memref_slice %dma_start3A_224[%dma_start3A_215, %dma_start3A_225] : memref<2x100xi32, #tpu.memory_space<vmem>> -> memref<1x100xi32, #tpu.memory_space<vmem>>
      %dma_start3A_227 = tpu.memref_squeeze %dma_start3A_226 : memref<1x100xi32, #tpu.memory_space<vmem>> -> memref<100xi32, #tpu.memory_space<vmem>>
      %dma_start3A_228 = arith.constant 0 : i32
      %dma_start3A_229 = arith.constant 0 : i32
      %dma_start3A_230 = tpu.memref_slice %arg8[%dma_start3A_228, %dma_start3A_229] : memref<10000x128xf32, #tpu.memory_space<vmem_shared>> -> memref<10000x128xf32, #tpu.memory_space<vmem_shared>>
      %dma_start3A_231 = tpu.memref_slice %arg11[%dma_start3A_216] : memref<2x!tpu.dma_semaphore, #tpu.memory_space<semaphore_mem>> -> memref<1x!tpu.dma_semaphore, #tpu.memory_space<semaphore_mem>>
      %dma_start3A_232 = tpu.memref_squeeze %dma_start3A_231 : memref<1x!tpu.dma_semaphore, #tpu.memory_space<semaphore_mem>> -> memref<!tpu.dma_semaphore, #tpu.memory_space<semaphore_mem>>
      tpu.enqueue_indirect_dma source(%dma_start3A_220 : memref<100x128xf32, #tpu.memory_space<vmem>>) target(%dma_start3A_230 : memref<10000x128xf32, #tpu.memory_space<vmem_shared>>) offsets(%dma_start3A_227 : memref<100xi32, #tpu.memory_space<vmem>>) semaphore(%dma_start3A_232 : memref<!tpu.dma_semaphore, #tpu.memory_space<semaphore_mem>>) {add = true}
      %dma_wait3A_233 = arith.constant 1 : i32
      %dma_wait3A_234 = arith.constant 0 : i32
      %dma_wait3A_235 = arith.constant 1 : i32
      %dma_wait3A_236 = arith.constant 1 : i32
      %dma_wait3A_237 = arith.constant 0 : i32
      %dma_wait3A_238 = arith.constant 0 : i32
      %dma_wait3A_239 = tpu.memref_slice %arg7[%dma_wait3A_235, %dma_wait3A_237, %dma_wait3A_238] : memref<2x100x128xf32, #tpu.memory_space<vmem>> -> memref<1x100x128xf32, #tpu.memory_space<vmem>>
      %dma_wait3A_240 = tpu.memref_squeeze %dma_wait3A_239 : memref<1x100x128xf32, #tpu.memory_space<vmem>> -> memref<100x128xf32, #tpu.memory_space<vmem>>
      %dma_wait3A_241 = arith.constant 0 : i32
      %dma_wait3A_242 = arith.constant 0 : i32
      %dma_wait3A_243 = tpu.memref_slice %arg6[%dma_wait3A_233, %dma_wait3A_241, %dma_wait3A_242] : memref<2x2x100xi32, #tpu.memory_space<vmem>> -> memref<1x2x100xi32, #tpu.memory_space<vmem>>
      %dma_wait3A_244 = tpu.memref_squeeze %dma_wait3A_243 : memref<1x2x100xi32, #tpu.memory_space<vmem>> -> memref<2x100xi32, #tpu.memory_space<vmem>>
      %dma_wait3A_245 = arith.constant 0 : i32
      %dma_wait3A_246 = tpu.memref_slice %dma_wait3A_244[%dma_wait3A_234, %dma_wait3A_245] : memref<2x100xi32, #tpu.memory_space<vmem>> -> memref<1x100xi32, #tpu.memory_space<vmem>>
      %dma_wait3A_247 = tpu.memref_squeeze %dma_wait3A_246 : memref<1x100xi32, #tpu.memory_space<vmem>> -> memref<100xi32, #tpu.memory_space<vmem>>
      %dma_wait3A_248 = arith.constant 0 : i32
      %dma_wait3A_249 = arith.constant 0 : i32
      %dma_wait3A_250 = tpu.memref_slice %arg2[%dma_wait3A_248, %dma_wait3A_249] : memref<10000x128xf32, #tpu.memory_space<hbm>> -> memref<10000x128xf32, #tpu.memory_space<hbm>>
      %dma_wait3A_251 = tpu.memref_slice %arg10[%dma_wait3A_236] : memref<2x!tpu.dma_semaphore, #tpu.memory_space<semaphore_mem>> -> memref<1x!tpu.dma_semaphore, #tpu.memory_space<semaphore_mem>>
      %dma_wait3A_252 = tpu.memref_squeeze %dma_wait3A_251 : memref<1x!tpu.dma_semaphore, #tpu.memory_space<semaphore_mem>> -> memref<!tpu.dma_semaphore, #tpu.memory_space<semaphore_mem>>
      tpu.wait_indirect_dma semaphore(%dma_wait3A_252 : memref<!tpu.dma_semaphore, #tpu.memory_space<semaphore_mem>>) src(%dma_wait3A_250 : memref<10000x128xf32, #tpu.memory_space<hbm>>) dst(%dma_wait3A_240 : memref<100x128xf32, #tpu.memory_space<vmem>>)
      %dma_start3A_253 = arith.constant 1 : i32
      %dma_start3A_254 = arith.constant 1 : i32
      %dma_start3A_255 = arith.constant 1 : i32
      %dma_start3A_256 = arith.constant 1 : i32
      %dma_start3A_257 = arith.constant 0 : i32
      %dma_start3A_258 = arith.constant 0 : i32
      %dma_start3A_259 = tpu.memref_slice %arg7[%dma_start3A_253, %dma_start3A_257, %dma_start3A_258] : memref<2x100x128xf32, #tpu.memory_space<vmem>> -> memref<1x100x128xf32, #tpu.memory_space<vmem>>
      %dma_start3A_260 = tpu.memref_squeeze %dma_start3A_259 : memref<1x100x128xf32, #tpu.memory_space<vmem>> -> memref<100x128xf32, #tpu.memory_space<vmem>>
      %dma_start3A_261 = arith.constant 0 : i32
      %dma_start3A_262 = arith.constant 0 : i32
      %dma_start3A_263 = tpu.memref_slice %arg6[%dma_start3A_254, %dma_start3A_261, %dma_start3A_262] : memref<2x2x100xi32, #tpu.memory_space<vmem>> -> memref<1x2x100xi32, #tpu.memory_space<vmem>>
      %dma_start3A_264 = tpu.memref_squeeze %dma_start3A_263 : memref<1x2x100xi32, #tpu.memory_space<vmem>> -> memref<2x100xi32, #tpu.memory_space<vmem>>
      %dma_start3A_265 = arith.constant 0 : i32
      %dma_start3A_266 = tpu.memref_slice %dma_start3A_264[%dma_start3A_255, %dma_start3A_265] : memref<2x100xi32, #tpu.memory_space<vmem>> -> memref<1x100xi32, #tpu.memory_space<vmem>>
      %dma_start3A_267 = tpu.memref_squeeze %dma_start3A_266 : memref<1x100xi32, #tpu.memory_space<vmem>> -> memref<100xi32, #tpu.memory_space<vmem>>
      %dma_start3A_268 = arith.constant 0 : i32
      %dma_start3A_269 = arith.constant 0 : i32
      %dma_start3A_270 = tpu.memref_slice %arg8[%dma_start3A_268, %dma_start3A_269] : memref<10000x128xf32, #tpu.memory_space<vmem_shared>> -> memref<10000x128xf32, #tpu.memory_space<vmem_shared>>
      %dma_start3A_271 = tpu.memref_slice %arg11[%dma_start3A_256] : memref<2x!tpu.dma_semaphore, #tpu.memory_space<semaphore_mem>> -> memref<1x!tpu.dma_semaphore, #tpu.memory_space<semaphore_mem>>
      %dma_start3A_272 = tpu.memref_squeeze %dma_start3A_271 : memref<1x!tpu.dma_semaphore, #tpu.memory_space<semaphore_mem>> -> memref<!tpu.dma_semaphore, #tpu.memory_space<semaphore_mem>>
      tpu.enqueue_indirect_dma source(%dma_start3A_260 : memref<100x128xf32, #tpu.memory_space<vmem>>) target(%dma_start3A_270 : memref<10000x128xf32, #tpu.memory_space<vmem_shared>>) offsets(%dma_start3A_267 : memref<100xi32, #tpu.memory_space<vmem>>) semaphore(%dma_start3A_272 : memref<!tpu.dma_semaphore, #tpu.memory_space<semaphore_mem>>) {add = true}
      %dma_wait3A_273 = arith.constant 0 : i32
      %dma_wait3A_274 = arith.constant 0 : i32
      %dma_wait3A_275 = arith.constant 1 : i32
      %dma_wait3A_276 = arith.constant 0 : i32
      %dma_wait3A_277 = arith.constant 0 : i32
      %dma_wait3A_278 = arith.constant 0 : i32
      %dma_wait3A_279 = tpu.memref_slice %arg7[%dma_wait3A_273, %dma_wait3A_277, %dma_wait3A_278] : memref<2x100x128xf32, #tpu.memory_space<vmem>> -> memref<1x100x128xf32, #tpu.memory_space<vmem>>
      %dma_wait3A_280 = tpu.memref_squeeze %dma_wait3A_279 : memref<1x100x128xf32, #tpu.memory_space<vmem>> -> memref<100x128xf32, #tpu.memory_space<vmem>>
      %dma_wait3A_281 = arith.constant 0 : i32
      %dma_wait3A_282 = arith.constant 0 : i32
      %dma_wait3A_283 = tpu.memref_slice %arg6[%dma_wait3A_274, %dma_wait3A_281, %dma_wait3A_282] : memref<2x2x100xi32, #tpu.memory_space<vmem>> -> memref<1x2x100xi32, #tpu.memory_space<vmem>>
      %dma_wait3A_284 = tpu.memref_squeeze %dma_wait3A_283 : memref<1x2x100xi32, #tpu.memory_space<vmem>> -> memref<2x100xi32, #tpu.memory_space<vmem>>
      %dma_wait3A_285 = arith.constant 0 : i32
      %dma_wait3A_286 = tpu.memref_slice %dma_wait3A_284[%dma_wait3A_275, %dma_wait3A_285] : memref<2x100xi32, #tpu.memory_space<vmem>> -> memref<1x100xi32, #tpu.memory_space<vmem>>
      %dma_wait3A_287 = tpu.memref_squeeze %dma_wait3A_286 : memref<1x100xi32, #tpu.memory_space<vmem>> -> memref<100xi32, #tpu.memory_space<vmem>>
      %dma_wait3A_288 = arith.constant 0 : i32
      %dma_wait3A_289 = arith.constant 0 : i32
      %dma_wait3A_290 = tpu.memref_slice %arg8[%dma_wait3A_288, %dma_wait3A_289] : memref<10000x128xf32, #tpu.memory_space<vmem_shared>> -> memref<10000x128xf32, #tpu.memory_space<vmem_shared>>
      %dma_wait3A_291 = tpu.memref_slice %arg11[%dma_wait3A_276] : memref<2x!tpu.dma_semaphore, #tpu.memory_space<semaphore_mem>> -> memref<1x!tpu.dma_semaphore, #tpu.memory_space<semaphore_mem>>
      %dma_wait3A_292 = tpu.memref_squeeze %dma_wait3A_291 : memref<1x!tpu.dma_semaphore, #tpu.memory_space<semaphore_mem>> -> memref<!tpu.dma_semaphore, #tpu.memory_space<semaphore_mem>>
      tpu.wait_indirect_dma semaphore(%dma_wait3A_292 : memref<!tpu.dma_semaphore, #tpu.memory_space<semaphore_mem>>) src(%dma_wait3A_280 : memref<100x128xf32, #tpu.memory_space<vmem>>) dst(%dma_wait3A_290 : memref<10000x128xf32, #tpu.memory_space<vmem_shared>>)
      %lt3A_293 = arith.constant 49 : i32
      %lt3A_294 = arith.cmpi slt, %add3A_87, %lt3A_293 : i32
      %convert_element_type3A_295 = arith.extui %lt3A_294 : i1 to i32
      %cond3A_296 = arith.constant 0 : i32
      %cond3A_297 = arith.cmpi ne, %convert_element_type3A_295, %cond3A_296 : i32
      scf.if %cond3A_297 {
        %add3A_323 = arith.constant 2 : i32
        %add3A_324 = arith.addi %mul3A_89, %add3A_323 : i32
        %add3A_325 = arith.constant 0 : i32
        %add3A_326 = arith.addi %add3A_324, %add3A_325 : i32
        %dma_start3A_327 = arith.constant 0 : i32
        %dma_start3A_328 = arith.constant 0 : i32
        %dma_start3A_329 = arith.constant 0 : i32
        %dma_start3A_330 = arith.constant 0 : i32
        %dma_start3A_331 = tpu.memref_slice %arg6[%dma_start3A_327, %dma_start3A_329, %dma_start3A_330] : memref<2x2x100xi32, #tpu.memory_space<vmem>> -> memref<1x2x100xi32, #tpu.memory_space<vmem>>
        %dma_start3A_332 = tpu.memref_squeeze %dma_start3A_331 : memref<1x2x100xi32, #tpu.memory_space<vmem>> -> memref<2x100xi32, #tpu.memory_space<vmem>>
        %dma_start3A_333 = arith.constant 0 : i32
        %dma_start3A_334 = arith.constant 0 : i32
        %dma_start3A_335 = arith.constant 0 : i32
        %dma_start3A_336 = tpu.memref_slice %arg4[%add3A, %dma_start3A_333, %dma_start3A_334, %dma_start3A_335] : memref<32x100x2x100xi32, #tpu.memory_space<hbm>> -> memref<1x100x2x100xi32, #tpu.memory_space<hbm>>
        %dma_start3A_337 = tpu.memref_squeeze %dma_start3A_336 : memref<1x100x2x100xi32, #tpu.memory_space<hbm>> -> memref<100x2x100xi32, #tpu.memory_space<hbm>>
        %dma_start3A_338 = arith.constant 0 : i32
        %dma_start3A_339 = arith.constant 0 : i32
        %dma_start3A_340 = tpu.memref_slice %dma_start3A_337[%add3A_326, %dma_start3A_338, %dma_start3A_339] : memref<100x2x100xi32, #tpu.memory_space<hbm>> -> memref<1x2x100xi32, #tpu.memory_space<hbm>>
        %dma_start3A_341 = tpu.memref_squeeze %dma_start3A_340 : memref<1x2x100xi32, #tpu.memory_space<hbm>> -> memref<2x100xi32, #tpu.memory_space<hbm>>
        %dma_start3A_342 = tpu.memref_slice %arg9[%dma_start3A_328] : memref<2x!tpu.dma_semaphore, #tpu.memory_space<semaphore_mem>> -> memref<1x!tpu.dma_semaphore, #tpu.memory_space<semaphore_mem>>
        %dma_start3A_343 = tpu.memref_squeeze %dma_start3A_342 : memref<1x!tpu.dma_semaphore, #tpu.memory_space<semaphore_mem>> -> memref<!tpu.dma_semaphore, #tpu.memory_space<semaphore_mem>>
        %dma_start3A_344 = arith.constant 0 : i32
        %dma_start3A_345 = arith.constant 0 : i32
        %dma_start3A_346 = tpu.memref_slice %arg6[%dma_start3A_327, %dma_start3A_344, %dma_start3A_345] : memref<2x2x100xi32, #tpu.memory_space<vmem>> -> memref<1x2x100xi32, #tpu.memory_space<vmem>>
        %dma_start3A_347 = tpu.memref_squeeze %dma_start3A_346 : memref<1x2x100xi32, #tpu.memory_space<vmem>> -> memref<2x100xi32, #tpu.memory_space<vmem>>
        %dma_start3A_348 = arith.constant 0 : i32
        %dma_start3A_349 = arith.constant 0 : i32
        %dma_start3A_350 = arith.constant 0 : i32
        %dma_start3A_351 = tpu.memref_slice %arg4[%add3A, %dma_start3A_348, %dma_start3A_349, %dma_start3A_350] : memref<32x100x2x100xi32, #tpu.memory_space<hbm>> -> memref<1x100x2x100xi32, #tpu.memory_space<hbm>>
        %dma_start3A_352 = tpu.memref_squeeze %dma_start3A_351 : memref<1x100x2x100xi32, #tpu.memory_space<hbm>> -> memref<100x2x100xi32, #tpu.memory_space<hbm>>
        %dma_start3A_353 = arith.constant 0 : i32
        %dma_start3A_354 = arith.constant 0 : i32
        %dma_start3A_355 = tpu.memref_slice %dma_start3A_352[%add3A_326, %dma_start3A_353, %dma_start3A_354] : memref<100x2x100xi32, #tpu.memory_space<hbm>> -> memref<1x2x100xi32, #tpu.memory_space<hbm>>
        %dma_start3A_356 = tpu.memref_squeeze %dma_start3A_355 : memref<1x2x100xi32, #tpu.memory_space<hbm>> -> memref<2x100xi32, #tpu.memory_space<hbm>>
        tpu.enqueue_dma source(%dma_start3A_356 : memref<2x100xi32, #tpu.memory_space<hbm>>) target(%dma_start3A_347 : memref<2x100xi32, #tpu.memory_space<vmem>>) target_semaphore(%dma_start3A_343 : memref<!tpu.dma_semaphore, #tpu.memory_space<semaphore_mem>>)
      } else {
      }
      %dma_wait3A_298 = arith.constant 1 : i32
      %dma_wait3A_299 = arith.constant 1 : i32
      %dma_wait3A_300 = arith.constant 1 : i32
      %dma_wait3A_301 = arith.constant 1 : i32
      %dma_wait3A_302 = arith.constant 0 : i32
      %dma_wait3A_303 = arith.constant 0 : i32
      %dma_wait3A_304 = tpu.memref_slice %arg7[%dma_wait3A_298, %dma_wait3A_302, %dma_wait3A_303] : memref<2x100x128xf32, #tpu.memory_space<vmem>> -> memref<1x100x128xf32, #tpu.memory_space<vmem>>
      %dma_wait3A_305 = tpu.memref_squeeze %dma_wait3A_304 : memref<1x100x128xf32, #tpu.memory_space<vmem>> -> memref<100x128xf32, #tpu.memory_space<vmem>>
      %dma_wait3A_306 = arith.constant 0 : i32
      %dma_wait3A_307 = arith.constant 0 : i32
      %dma_wait3A_308 = tpu.memref_slice %arg6[%dma_wait3A_299, %dma_wait3A_306, %dma_wait3A_307] : memref<2x2x100xi32, #tpu.memory_space<vmem>> -> memref<1x2x100xi32, #tpu.memory_space<vmem>>
      %dma_wait3A_309 = tpu.memref_squeeze %dma_wait3A_308 : memref<1x2x100xi32, #tpu.memory_space<vmem>> -> memref<2x100xi32, #tpu.memory_space<vmem>>
      %dma_wait3A_310 = arith.constant 0 : i32
      %dma_wait3A_311 = tpu.memref_slice %dma_wait3A_309[%dma_wait3A_300, %dma_wait3A_310] : memref<2x100xi32, #tpu.memory_space<vmem>> -> memref<1x100xi32, #tpu.memory_space<vmem>>
      %dma_wait3A_312 = tpu.memref_squeeze %dma_wait3A_311 : memref<1x100xi32, #tpu.memory_space<vmem>> -> memref<100xi32, #tpu.memory_space<vmem>>
      %dma_wait3A_313 = arith.constant 0 : i32
      %dma_wait3A_314 = arith.constant 0 : i32
      %dma_wait3A_315 = tpu.memref_slice %arg8[%dma_wait3A_313, %dma_wait3A_314] : memref<10000x128xf32, #tpu.memory_space<vmem_shared>> -> memref<10000x128xf32, #tpu.memory_space<vmem_shared>>
      %dma_wait3A_316 = tpu.memref_slice %arg11[%dma_wait3A_301] : memref<2x!tpu.dma_semaphore, #tpu.memory_space<semaphore_mem>> -> memref<1x!tpu.dma_semaphore, #tpu.memory_space<semaphore_mem>>
      %dma_wait3A_317 = tpu.memref_squeeze %dma_wait3A_316 : memref<1x!tpu.dma_semaphore, #tpu.memory_space<semaphore_mem>> -> memref<!tpu.dma_semaphore, #tpu.memory_space<semaphore_mem>>
      tpu.wait_indirect_dma semaphore(%dma_wait3A_317 : memref<!tpu.dma_semaphore, #tpu.memory_space<semaphore_mem>>) src(%dma_wait3A_305 : memref<100x128xf32, #tpu.memory_space<vmem>>) dst(%dma_wait3A_315 : memref<10000x128xf32, #tpu.memory_space<vmem_shared>>)
      %lt3A_318 = arith.constant 49 : i32
      %lt3A_319 = arith.cmpi slt, %add3A_87, %lt3A_318 : i32
      %convert_element_type3A_320 = arith.extui %lt3A_319 : i1 to i32
      %cond3A_321 = arith.constant 0 : i32
      %cond3A_322 = arith.cmpi ne, %convert_element_type3A_320, %cond3A_321 : i32
      scf.if %cond3A_322 {
        %add3A_323 = arith.constant 2 : i32
        %add3A_324 = arith.addi %mul3A_89, %add3A_323 : i32
        %add3A_325 = arith.constant 1 : i32
        %add3A_326 = arith.addi %add3A_324, %add3A_325 : i32
        %dma_start3A_327 = arith.constant 1 : i32
        %dma_start3A_328 = arith.constant 1 : i32
        %dma_start3A_329 = arith.constant 0 : i32
        %dma_start3A_330 = arith.constant 0 : i32
        %dma_start3A_331 = tpu.memref_slice %arg6[%dma_start3A_327, %dma_start3A_329, %dma_start3A_330] : memref<2x2x100xi32, #tpu.memory_space<vmem>> -> memref<1x2x100xi32, #tpu.memory_space<vmem>>
        %dma_start3A_332 = tpu.memref_squeeze %dma_start3A_331 : memref<1x2x100xi32, #tpu.memory_space<vmem>> -> memref<2x100xi32, #tpu.memory_space<vmem>>
        %dma_start3A_333 = arith.constant 0 : i32
        %dma_start3A_334 = arith.constant 0 : i32
        %dma_start3A_335 = arith.constant 0 : i32
        %dma_start3A_336 = tpu.memref_slice %arg4[%add3A, %dma_start3A_333, %dma_start3A_334, %dma_start3A_335] : memref<32x100x2x100xi32, #tpu.memory_space<hbm>> -> memref<1x100x2x100xi32, #tpu.memory_space<hbm>>
        %dma_start3A_337 = tpu.memref_squeeze %dma_start3A_336 : memref<1x100x2x100xi32, #tpu.memory_space<hbm>> -> memref<100x2x100xi32, #tpu.memory_space<hbm>>
        %dma_start3A_338 = arith.constant 0 : i32
        %dma_start3A_339 = arith.constant 0 : i32
        %dma_start3A_340 = tpu.memref_slice %dma_start3A_337[%add3A_326, %dma_start3A_338, %dma_start3A_339] : memref<100x2x100xi32, #tpu.memory_space<hbm>> -> memref<1x2x100xi32, #tpu.memory_space<hbm>>
        %dma_start3A_341 = tpu.memref_squeeze %dma_start3A_340 : memref<1x2x100xi32, #tpu.memory_space<hbm>> -> memref<2x100xi32, #tpu.memory_space<hbm>>
        %dma_start3A_342 = tpu.memref_slice %arg9[%dma_start3A_328] : memref<2x!tpu.dma_semaphore, #tpu.memory_space<semaphore_mem>> -> memref<1x!tpu.dma_semaphore, #tpu.memory_space<semaphore_mem>>
        %dma_start3A_343 = tpu.memref_squeeze %dma_start3A_342 : memref<1x!tpu.dma_semaphore, #tpu.memory_space<semaphore_mem>> -> memref<!tpu.dma_semaphore, #tpu.memory_space<semaphore_mem>>
        %dma_start3A_344 = arith.constant 0 : i32
        %dma_start3A_345 = arith.constant 0 : i32
        %dma_start3A_346 = tpu.memref_slice %arg6[%dma_start3A_327, %dma_start3A_344, %dma_start3A_345] : memref<2x2x100xi32, #tpu.memory_space<vmem>> -> memref<1x2x100xi32, #tpu.memory_space<vmem>>
        %dma_start3A_347 = tpu.memref_squeeze %dma_start3A_346 : memref<1x2x100xi32, #tpu.memory_space<vmem>> -> memref<2x100xi32, #tpu.memory_space<vmem>>
        %dma_start3A_348 = arith.constant 0 : i32
        %dma_start3A_349 = arith.constant 0 : i32
        %dma_start3A_350 = arith.constant 0 : i32
        %dma_start3A_351 = tpu.memref_slice %arg4[%add3A, %dma_start3A_348, %dma_start3A_349, %dma_start3A_350] : memref<32x100x2x100xi32, #tpu.memory_space<hbm>> -> memref<1x100x2x100xi32, #tpu.memory_space<hbm>>
        %dma_start3A_352 = tpu.memref_squeeze %dma_start3A_351 : memref<1x100x2x100xi32, #tpu.memory_space<hbm>> -> memref<100x2x100xi32, #tpu.memory_space<hbm>>
        %dma_start3A_353 = arith.constant 0 : i32
        %dma_start3A_354 = arith.constant 0 : i32
        %dma_start3A_355 = tpu.memref_slice %dma_start3A_352[%add3A_326, %dma_start3A_353, %dma_start3A_354] : memref<100x2x100xi32, #tpu.memory_space<hbm>> -> memref<1x2x100xi32, #tpu.memory_space<hbm>>
        %dma_start3A_356 = tpu.memref_squeeze %dma_start3A_355 : memref<1x2x100xi32, #tpu.memory_space<hbm>> -> memref<2x100xi32, #tpu.memory_space<hbm>>
        tpu.enqueue_dma source(%dma_start3A_356 : memref<2x100xi32, #tpu.memory_space<hbm>>) target(%dma_start3A_347 : memref<2x100xi32, #tpu.memory_space<vmem>>) target_semaphore(%dma_start3A_343 : memref<!tpu.dma_semaphore, #tpu.memory_space<semaphore_mem>>)
      } else {
      }
    }
    %scan3A_72 = arith.constant 50 : i32
    %barrier3A_73 = arith.constant 0 : index
    tpu.barrier barrier_id(%barrier3A_73)
    %lt3A = arith.constant 15 : i32
    %lt3A_74 = arith.cmpi slt, %arg1, %lt3A : i32
    %convert_element_type3A_75 = arith.extui %lt3A_74 : i1 to i32
    %cond3A_76 = arith.constant 0 : i32
    %cond3A_77 = arith.cmpi ne, %convert_element_type3A_75, %cond3A_76 : i32
    scf.if %cond3A_77 {
      %mul3A_83 = arith.constant 624 : i32
      %mul3A_84 = arith.muli %arg1, %mul3A_83 : i32
      "tpu.region"() ({
        %run_scoped3A = tpu.sem_alloc : memref<!tpu.dma_semaphore, #tpu.memory_space<semaphore_mem>>
        %dma_start3A_85 = arith.constant 0 : i32
        %dma_start3A_86 = arith.constant 0 : i32
        %dma_start3A_87 = tpu.memref_slice %arg5[%arg0, %dma_start3A_85, %dma_start3A_86] : memref<2x10000x128xf32, #tpu.memory_space<hbm>> -> memref<1x10000x128xf32, #tpu.memory_space<hbm>>
        %dma_start3A_88 = tpu.memref_squeeze %dma_start3A_87 : memref<1x10000x128xf32, #tpu.memory_space<hbm>> -> memref<10000x128xf32, #tpu.memory_space<hbm>>
        %dma_start3A_89 = arith.constant 0 : i32
        %dma_start3A_90 = tpu.memref_slice %dma_start3A_88[%mul3A_84, %dma_start3A_89] : memref<10000x128xf32, #tpu.memory_space<hbm>> -> memref<624x128xf32, #tpu.memory_space<hbm>>
        %dma_start3A_91 = arith.constant 0 : i32
        %dma_start3A_92 = tpu.memref_slice %arg8[%mul3A_84, %dma_start3A_91] : memref<10000x128xf32, #tpu.memory_space<vmem_shared>> -> memref<624x128xf32, #tpu.memory_space<vmem_shared>>
        tpu.enqueue_dma source(%dma_start3A_92 : memref<624x128xf32, #tpu.memory_space<vmem_shared>>) target(%dma_start3A_90 : memref<624x128xf32, #tpu.memory_space<hbm>>) target_semaphore(%run_scoped3A : memref<!tpu.dma_semaphore, #tpu.memory_space<semaphore_mem>>)
        %dma_wait3A = arith.constant 0 : i32
        %dma_wait3A_93 = arith.constant 0 : i32
        %dma_wait3A_94 = tpu.memref_slice %arg5[%arg0, %dma_wait3A, %dma_wait3A_93] : memref<2x10000x128xf32, #tpu.memory_space<hbm>> -> memref<1x10000x128xf32, #tpu.memory_space<hbm>>
        %dma_wait3A_95 = tpu.memref_squeeze %dma_wait3A_94 : memref<1x10000x128xf32, #tpu.memory_space<hbm>> -> memref<10000x128xf32, #tpu.memory_space<hbm>>
        %dma_wait3A_96 = arith.constant 0 : i32
        %dma_wait3A_97 = tpu.memref_slice %dma_wait3A_95[%mul3A_84, %dma_wait3A_96] : memref<10000x128xf32, #tpu.memory_space<hbm>> -> memref<624x128xf32, #tpu.memory_space<hbm>>
        %dma_wait3A_98 = arith.constant 0 : i32
        %dma_wait3A_99 = tpu.memref_slice %arg8[%mul3A_84, %dma_wait3A_98] : memref<10000x128xf32, #tpu.memory_space<vmem_shared>> -> memref<624x128xf32, #tpu.memory_space<vmem_shared>>
        tpu.wait_dma2 semaphore(%run_scoped3A : memref<!tpu.dma_semaphore, #tpu.memory_space<semaphore_mem>>) src(%dma_wait3A_99 : memref<624x128xf32, #tpu.memory_space<vmem_shared>>) dst(%dma_wait3A_97 : memref<624x128xf32, #tpu.memory_space<hbm>>)
        tpu.yield
      }) : () -> ()
    } else {
    }
    %eq3A_78 = arith.constant 15 : i32
    %eq3A_79 = arith.cmpi eq, %arg1, %eq3A_78 : i32
    %convert_element_type3A_80 = arith.extui %eq3A_79 : i1 to i32
    %cond3A_81 = arith.constant 0 : i32
    %cond3A_82 = arith.cmpi ne, %convert_element_type3A_80, %cond3A_81 : i32
    scf.if %cond3A_82 {
      "tpu.region"() ({
        %run_scoped3A = tpu.sem_alloc : memref<!tpu.dma_semaphore, #tpu.memory_space<semaphore_mem>>
        %dma_start3A_83 = arith.constant 0 : i32
        %dma_start3A_84 = arith.constant 0 : i32
        %dma_start3A_85 = tpu.memref_slice %arg5[%arg0, %dma_start3A_83, %dma_start3A_84] : memref<2x10000x128xf32, #tpu.memory_space<hbm>> -> memref<1x10000x128xf32, #tpu.memory_space<hbm>>
        %dma_start3A_86 = tpu.memref_squeeze %dma_start3A_85 : memref<1x10000x128xf32, #tpu.memory_space<hbm>> -> memref<10000x128xf32, #tpu.memory_space<hbm>>
        %dma_start3A_87 = arith.constant 9360 : i32
        %dma_start3A_88 = arith.constant 0 : i32
        %dma_start3A_89 = tpu.memref_slice %dma_start3A_86[%dma_start3A_87, %dma_start3A_88] : memref<10000x128xf32, #tpu.memory_space<hbm>> -> memref<640x128xf32, #tpu.memory_space<hbm>>
        %dma_start3A_90 = arith.constant 9360 : i32
        %dma_start3A_91 = arith.constant 0 : i32
        %dma_start3A_92 = tpu.memref_slice %arg8[%dma_start3A_90, %dma_start3A_91] : memref<10000x128xf32, #tpu.memory_space<vmem_shared>> -> memref<640x128xf32, #tpu.memory_space<vmem_shared>>
        tpu.enqueue_dma source(%dma_start3A_92 : memref<640x128xf32, #tpu.memory_space<vmem_shared>>) target(%dma_start3A_89 : memref<640x128xf32, #tpu.memory_space<hbm>>) target_semaphore(%run_scoped3A : memref<!tpu.dma_semaphore, #tpu.memory_space<semaphore_mem>>)
        %dma_wait3A = arith.constant 0 : i32
        %dma_wait3A_93 = arith.constant 0 : i32
        %dma_wait3A_94 = tpu.memref_slice %arg5[%arg0, %dma_wait3A, %dma_wait3A_93] : memref<2x10000x128xf32, #tpu.memory_space<hbm>> -> memref<1x10000x128xf32, #tpu.memory_space<hbm>>
        %dma_wait3A_95 = tpu.memref_squeeze %dma_wait3A_94 : memref<1x10000x128xf32, #tpu.memory_space<hbm>> -> memref<10000x128xf32, #tpu.memory_space<hbm>>
        %dma_wait3A_96 = arith.constant 9360 : i32
        %dma_wait3A_97 = arith.constant 0 : i32
        %dma_wait3A_98 = tpu.memref_slice %dma_wait3A_95[%dma_wait3A_96, %dma_wait3A_97] : memref<10000x128xf32, #tpu.memory_space<hbm>> -> memref<640x128xf32, #tpu.memory_space<hbm>>
        %dma_wait3A_99 = arith.constant 9360 : i32
        %dma_wait3A_100 = arith.constant 0 : i32
        %dma_wait3A_101 = tpu.memref_slice %arg8[%dma_wait3A_99, %dma_wait3A_100] : memref<10000x128xf32, #tpu.memory_space<vmem_shared>> -> memref<640x128xf32, #tpu.memory_space<vmem_shared>>
        tpu.wait_dma2 semaphore(%run_scoped3A : memref<!tpu.dma_semaphore, #tpu.memory_space<semaphore_mem>>) src(%dma_wait3A_101 : memref<640x128xf32, #tpu.memory_space<vmem_shared>>) dst(%dma_wait3A_98 : memref<640x128xf32, #tpu.memory_space<hbm>>)
        tpu.yield
      }) : () -> ()
    } else {
    }
    return
  }
}

#map = affine_map<(d0, d1) -> (0, 0)>
#map1 = affine_map<(d0, d1) -> (0, 0, 0, 0)>
#map2 = affine_map<(d0, d1) -> (0, 0, 0)>
module attributes {stable_mosaic.version = 14 : i64} {
  func.func @_sc_scatter_body(%arg0: i32, %arg1: i32, %arg2: memref<10000x128xf32, #tpu.memory_space<hbm>>, %arg3: memref<10000x128xf32, #tpu.memory_space<hbm>>, %arg4: memref<32x100x2x100xi32, #tpu.memory_space<hbm>>, %arg5: memref<2x10000x128xf32, #tpu.memory_space<hbm>>, %arg6: memref<2x2x100xi32, #tpu.memory_space<vmem>>, %arg7: memref<2x100x128xf32, #tpu.memory_space<vmem>>, %arg8: memref<10000x128xf32, #tpu.memory_space<vmem_shared>>, %arg9: memref<2x!tpu.dma_semaphore, #tpu.memory_space<semaphore_mem>>, %arg10: memref<2x!tpu.dma_semaphore, #tpu.memory_space<semaphore_mem>>, %arg11: memref<2x!tpu.dma_semaphore, #tpu.memory_space<semaphore_mem>>) attributes {dimension_semantics = [#tpu.dimension_semantics<core_parallel>, #tpu.dimension_semantics<subcore_parallel>], iteration_bounds = array<i64: 2, 16>, scalar_prefetch = 0 : i64, scratch_operands = 6 : i64, tpu.core_type = #tpu.core_type<sc_vector_subcore>, window_params = [{transform_indices = #map}, {transform_indices = #map}, {transform_indices = #map1}, {transform_indices = #map2}]} {
    %mul3A = arith.constant 2 : i32
    %mul3A_0 = arith.muli %arg1, %mul3A : i32
    %add3A = arith.addi %mul3A_0, %arg0 : i32
    %eq3A = arith.constant 0 : i32
    %eq3A_1 = arith.cmpi eq, %arg0, %eq3A : i32
    %convert_element_type3A = arith.extui %eq3A_1 : i1 to i32
    %cond3A = arith.constant 0 : i32
    %cond3A_2 = arith.cmpi ne, %convert_element_type3A, %cond3A : i32
    scf.if %cond3A_2 {
      %lt3A_83 = arith.constant 15 : i32
      %lt3A_84 = arith.cmpi slt, %arg1, %lt3A_83 : i32
      %convert_element_type3A_85 = arith.extui %lt3A_84 : i1 to i32
      %cond3A_86 = arith.constant 0 : i32
      %cond3A_87 = arith.cmpi ne, %convert_element_type3A_85, %cond3A_86 : i32
      scf.if %cond3A_87 {
        %mul3A_93 = arith.constant 624 : i32
        %mul3A_94 = arith.muli %arg1, %mul3A_93 : i32
        "tpu.region"() ({
          %run_scoped3A = tpu.sem_alloc : memref<!tpu.dma_semaphore, #tpu.memory_space<semaphore_mem>>
          %dma_start3A_95 = arith.constant 0 : i32
          %dma_start3A_96 = tpu.memref_slice %arg8[%mul3A_94, %dma_start3A_95] : memref<10000x128xf32, #tpu.memory_space<vmem_shared>> -> memref<624x128xf32, #tpu.memory_space<vmem_shared>>
          %dma_start3A_97 = arith.constant 0 : i32
          %dma_start3A_98 = tpu.memref_slice %arg2[%mul3A_94, %dma_start3A_97] : memref<10000x128xf32, #tpu.memory_space<hbm>> -> memref<624x128xf32, #tpu.memory_space<hbm>>
          tpu.enqueue_dma source(%dma_start3A_98 : memref<624x128xf32, #tpu.memory_space<hbm>>) target(%dma_start3A_96 : memref<624x128xf32, #tpu.memory_space<vmem_shared>>) target_semaphore(%run_scoped3A : memref<!tpu.dma_semaphore, #tpu.memory_space<semaphore_mem>>)
          %dma_wait3A = arith.constant 0 : i32
          %dma_wait3A_99 = tpu.memref_slice %arg8[%mul3A_94, %dma_wait3A] : memref<10000x128xf32, #tpu.memory_space<vmem_shared>> -> memref<624x128xf32, #tpu.memory_space<vmem_shared>>
          %dma_wait3A_100 = arith.constant 0 : i32
          %dma_wait3A_101 = tpu.memref_slice %arg2[%mul3A_94, %dma_wait3A_100] : memref<10000x128xf32, #tpu.memory_space<hbm>> -> memref<624x128xf32, #tpu.memory_space<hbm>>
          tpu.wait_dma2 semaphore(%run_scoped3A : memref<!tpu.dma_semaphore, #tpu.memory_space<semaphore_mem>>) src(%dma_wait3A_101 : memref<624x128xf32, #tpu.memory_space<hbm>>) dst(%dma_wait3A_99 : memref<624x128xf32, #tpu.memory_space<vmem_shared>>)
          tpu.yield
        }) : () -> ()
      } else {
      }
      %eq3A_88 = arith.constant 15 : i32
      %eq3A_89 = arith.cmpi eq, %arg1, %eq3A_88 : i32
      %convert_element_type3A_90 = arith.extui %eq3A_89 : i1 to i32
      %cond3A_91 = arith.constant 0 : i32
      %cond3A_92 = arith.cmpi ne, %convert_element_type3A_90, %cond3A_91 : i32
      scf.if %cond3A_92 {
        "tpu.region"() ({
          %run_scoped3A = tpu.sem_alloc : memref<!tpu.dma_semaphore, #tpu.memory_space<semaphore_mem>>
          %dma_start3A_93 = arith.constant 9360 : i32
          %dma_start3A_94 = arith.constant 0 : i32
          %dma_start3A_95 = tpu.memref_slice %arg8[%dma_start3A_93, %dma_start3A_94] : memref<10000x128xf32, #tpu.memory_space<vmem_shared>> -> memref<640x128xf32, #tpu.memory_space<vmem_shared>>
          %dma_start3A_96 = arith.constant 9360 : i32
          %dma_start3A_97 = arith.constant 0 : i32
          %dma_start3A_98 = tpu.memref_slice %arg2[%dma_start3A_96, %dma_start3A_97] : memref<10000x128xf32, #tpu.memory_space<hbm>> -> memref<640x128xf32, #tpu.memory_space<hbm>>
          tpu.enqueue_dma source(%dma_start3A_98 : memref<640x128xf32, #tpu.memory_space<hbm>>) target(%dma_start3A_95 : memref<640x128xf32, #tpu.memory_space<vmem_shared>>) target_semaphore(%run_scoped3A : memref<!tpu.dma_semaphore, #tpu.memory_space<semaphore_mem>>)
          %dma_wait3A = arith.constant 9360 : i32
          %dma_wait3A_99 = arith.constant 0 : i32
          %dma_wait3A_100 = tpu.memref_slice %arg8[%dma_wait3A, %dma_wait3A_99] : memref<10000x128xf32, #tpu.memory_space<vmem_shared>> -> memref<640x128xf32, #tpu.memory_space<vmem_shared>>
          %dma_wait3A_101 = arith.constant 9360 : i32
          %dma_wait3A_102 = arith.constant 0 : i32
          %dma_wait3A_103 = tpu.memref_slice %arg2[%dma_wait3A_101, %dma_wait3A_102] : memref<10000x128xf32, #tpu.memory_space<hbm>> -> memref<640x128xf32, #tpu.memory_space<hbm>>
          tpu.wait_dma2 semaphore(%run_scoped3A : memref<!tpu.dma_semaphore, #tpu.memory_space<semaphore_mem>>) src(%dma_wait3A_103 : memref<640x128xf32, #tpu.memory_space<hbm>>) dst(%dma_wait3A_100 : memref<640x128xf32, #tpu.memory_space<vmem_shared>>)
          tpu.yield
        }) : () -> ()
      } else {
      }
    } else {
    }
    %eq3A_3 = arith.constant 1 : i32
    %eq3A_4 = arith.cmpi eq, %arg0, %eq3A_3 : i32
    %convert_element_type3A_5 = arith.extui %eq3A_4 : i1 to i32
    %cond3A_6 = arith.constant 0 : i32
    %cond3A_7 = arith.cmpi ne, %convert_element_type3A_5, %cond3A_6 : i32
    scf.if %cond3A_7 {
      %lt3A_83 = arith.constant 15 : i32
      %lt3A_84 = arith.cmpi slt, %arg1, %lt3A_83 : i32
      %convert_element_type3A_85 = arith.extui %lt3A_84 : i1 to i32
      %cond3A_86 = arith.constant 0 : i32
      %cond3A_87 = arith.cmpi ne, %convert_element_type3A_85, %cond3A_86 : i32
      scf.if %cond3A_87 {
        %mul3A_93 = arith.constant 624 : i32
        %mul3A_94 = arith.muli %arg1, %mul3A_93 : i32
        "tpu.region"() ({
          %run_scoped3A = tpu.sem_alloc : memref<!tpu.dma_semaphore, #tpu.memory_space<semaphore_mem>>
          %dma_start3A_95 = arith.constant 0 : i32
          %dma_start3A_96 = tpu.memref_slice %arg8[%mul3A_94, %dma_start3A_95] : memref<10000x128xf32, #tpu.memory_space<vmem_shared>> -> memref<624x128xf32, #tpu.memory_space<vmem_shared>>
          %dma_start3A_97 = arith.constant 0 : i32
          %dma_start3A_98 = tpu.memref_slice %arg3[%mul3A_94, %dma_start3A_97] : memref<10000x128xf32, #tpu.memory_space<hbm>> -> memref<624x128xf32, #tpu.memory_space<hbm>>
          tpu.enqueue_dma source(%dma_start3A_98 : memref<624x128xf32, #tpu.memory_space<hbm>>) target(%dma_start3A_96 : memref<624x128xf32, #tpu.memory_space<vmem_shared>>) target_semaphore(%run_scoped3A : memref<!tpu.dma_semaphore, #tpu.memory_space<semaphore_mem>>)
          %dma_wait3A = arith.constant 0 : i32
          %dma_wait3A_99 = tpu.memref_slice %arg8[%mul3A_94, %dma_wait3A] : memref<10000x128xf32, #tpu.memory_space<vmem_shared>> -> memref<624x128xf32, #tpu.memory_space<vmem_shared>>
          %dma_wait3A_100 = arith.constant 0 : i32
          %dma_wait3A_101 = tpu.memref_slice %arg3[%mul3A_94, %dma_wait3A_100] : memref<10000x128xf32, #tpu.memory_space<hbm>> -> memref<624x128xf32, #tpu.memory_space<hbm>>
          tpu.wait_dma2 semaphore(%run_scoped3A : memref<!tpu.dma_semaphore, #tpu.memory_space<semaphore_mem>>) src(%dma_wait3A_101 : memref<624x128xf32, #tpu.memory_space<hbm>>) dst(%dma_wait3A_99 : memref<624x128xf32, #tpu.memory_space<vmem_shared>>)
          tpu.yield
        }) : () -> ()
      } else {
      }
      %eq3A_88 = arith.constant 15 : i32
      %eq3A_89 = arith.cmpi eq, %arg1, %eq3A_88 : i32
      %convert_element_type3A_90 = arith.extui %eq3A_89 : i1 to i32
      %cond3A_91 = arith.constant 0 : i32
      %cond3A_92 = arith.cmpi ne, %convert_element_type3A_90, %cond3A_91 : i32
      scf.if %cond3A_92 {
        "tpu.region"() ({
          %run_scoped3A = tpu.sem_alloc : memref<!tpu.dma_semaphore, #tpu.memory_space<semaphore_mem>>
          %dma_start3A_93 = arith.constant 9360 : i32
          %dma_start3A_94 = arith.constant 0 : i32
          %dma_start3A_95 = tpu.memref_slice %arg8[%dma_start3A_93, %dma_start3A_94] : memref<10000x128xf32, #tpu.memory_space<vmem_shared>> -> memref<640x128xf32, #tpu.memory_space<vmem_shared>>
          %dma_start3A_96 = arith.constant 9360 : i32
          %dma_start3A_97 = arith.constant 0 : i32
          %dma_start3A_98 = tpu.memref_slice %arg3[%dma_start3A_96, %dma_start3A_97] : memref<10000x128xf32, #tpu.memory_space<hbm>> -> memref<640x128xf32, #tpu.memory_space<hbm>>
          tpu.enqueue_dma source(%dma_start3A_98 : memref<640x128xf32, #tpu.memory_space<hbm>>) target(%dma_start3A_95 : memref<640x128xf32, #tpu.memory_space<vmem_shared>>) target_semaphore(%run_scoped3A : memref<!tpu.dma_semaphore, #tpu.memory_space<semaphore_mem>>)
          %dma_wait3A = arith.constant 9360 : i32
          %dma_wait3A_99 = arith.constant 0 : i32
          %dma_wait3A_100 = tpu.memref_slice %arg8[%dma_wait3A, %dma_wait3A_99] : memref<10000x128xf32, #tpu.memory_space<vmem_shared>> -> memref<640x128xf32, #tpu.memory_space<vmem_shared>>
          %dma_wait3A_101 = arith.constant 9360 : i32
          %dma_wait3A_102 = arith.constant 0 : i32
          %dma_wait3A_103 = tpu.memref_slice %arg3[%dma_wait3A_101, %dma_wait3A_102] : memref<10000x128xf32, #tpu.memory_space<hbm>> -> memref<640x128xf32, #tpu.memory_space<hbm>>
          tpu.wait_dma2 semaphore(%run_scoped3A : memref<!tpu.dma_semaphore, #tpu.memory_space<semaphore_mem>>) src(%dma_wait3A_103 : memref<640x128xf32, #tpu.memory_space<hbm>>) dst(%dma_wait3A_100 : memref<640x128xf32, #tpu.memory_space<vmem_shared>>)
          tpu.yield
        }) : () -> ()
      } else {
      }
    } else {
    }
    %dma_start3A = arith.constant 0 : i32
    %dma_start3A_8 = arith.constant 0 : i32
    %dma_start3A_9 = arith.constant 0 : i32
    %dma_start3A_10 = arith.constant 0 : i32
    %dma_start3A_11 = arith.constant 0 : i32
    %dma_start3A_12 = tpu.memref_slice %arg6[%dma_start3A_8, %dma_start3A_10, %dma_start3A_11] : memref<2x2x100xi32, #tpu.memory_space<vmem>> -> memref<1x2x100xi32, #tpu.memory_space<vmem>>
    %dma_start3A_13 = tpu.memref_squeeze %dma_start3A_12 : memref<1x2x100xi32, #tpu.memory_space<vmem>> -> memref<2x100xi32, #tpu.memory_space<vmem>>
    %dma_start3A_14 = arith.constant 0 : i32
    %dma_start3A_15 = arith.constant 0 : i32
    %dma_start3A_16 = arith.constant 0 : i32
    %dma_start3A_17 = tpu.memref_slice %arg4[%add3A, %dma_start3A_14, %dma_start3A_15, %dma_start3A_16] : memref<32x100x2x100xi32, #tpu.memory_space<hbm>> -> memref<1x100x2x100xi32, #tpu.memory_space<hbm>>
    %dma_start3A_18 = tpu.memref_squeeze %dma_start3A_17 : memref<1x100x2x100xi32, #tpu.memory_space<hbm>> -> memref<100x2x100xi32, #tpu.memory_space<hbm>>
    %dma_start3A_19 = arith.constant 0 : i32
    %dma_start3A_20 = arith.constant 0 : i32
    %dma_start3A_21 = tpu.memref_slice %dma_start3A_18[%dma_start3A, %dma_start3A_19, %dma_start3A_20] : memref<100x2x100xi32, #tpu.memory_space<hbm>> -> memref<1x2x100xi32, #tpu.memory_space<hbm>>
    %dma_start3A_22 = tpu.memref_squeeze %dma_start3A_21 : memref<1x2x100xi32, #tpu.memory_space<hbm>> -> memref<2x100xi32, #tpu.memory_space<hbm>>
    %dma_start3A_23 = tpu.memref_slice %arg9[%dma_start3A_9] : memref<2x!tpu.dma_semaphore, #tpu.memory_space<semaphore_mem>> -> memref<1x!tpu.dma_semaphore, #tpu.memory_space<semaphore_mem>>
    %dma_start3A_24 = tpu.memref_squeeze %dma_start3A_23 : memref<1x!tpu.dma_semaphore, #tpu.memory_space<semaphore_mem>> -> memref<!tpu.dma_semaphore, #tpu.memory_space<semaphore_mem>>
    %dma_start3A_25 = arith.constant 0 : i32
    %dma_start3A_26 = arith.constant 0 : i32
    %dma_start3A_27 = tpu.memref_slice %arg6[%dma_start3A_8, %dma_start3A_25, %dma_start3A_26] : memref<2x2x100xi32, #tpu.memory_space<vmem>> -> memref<1x2x100xi32, #tpu.memory_space<vmem>>
    %dma_start3A_28 = tpu.memref_squeeze %dma_start3A_27 : memref<1x2x100xi32, #tpu.memory_space<vmem>> -> memref<2x100xi32, #tpu.memory_space<vmem>>
    %dma_start3A_29 = arith.constant 0 : i32
    %dma_start3A_30 = arith.constant 0 : i32
    %dma_start3A_31 = arith.constant 0 : i32
    %dma_start3A_32 = tpu.memref_slice %arg4[%add3A, %dma_start3A_29, %dma_start3A_30, %dma_start3A_31] : memref<32x100x2x100xi32, #tpu.memory_space<hbm>> -> memref<1x100x2x100xi32, #tpu.memory_space<hbm>>
    %dma_start3A_33 = tpu.memref_squeeze %dma_start3A_32 : memref<1x100x2x100xi32, #tpu.memory_space<hbm>> -> memref<100x2x100xi32, #tpu.memory_space<hbm>>
    %dma_start3A_34 = arith.constant 0 : i32
    %dma_start3A_35 = arith.constant 0 : i32
    %dma_start3A_36 = tpu.memref_slice %dma_start3A_33[%dma_start3A, %dma_start3A_34, %dma_start3A_35] : memref<100x2x100xi32, #tpu.memory_space<hbm>> -> memref<1x2x100xi32, #tpu.memory_space<hbm>>
    %dma_start3A_37 = tpu.memref_squeeze %dma_start3A_36 : memref<1x2x100xi32, #tpu.memory_space<hbm>> -> memref<2x100xi32, #tpu.memory_space<hbm>>
    tpu.enqueue_dma source(%dma_start3A_37 : memref<2x100xi32, #tpu.memory_space<hbm>>) target(%dma_start3A_28 : memref<2x100xi32, #tpu.memory_space<vmem>>) target_semaphore(%dma_start3A_24 : memref<!tpu.dma_semaphore, #tpu.memory_space<semaphore_mem>>)
    %dma_start3A_38 = arith.constant 1 : i32
    %dma_start3A_39 = arith.constant 1 : i32
    %dma_start3A_40 = arith.constant 1 : i32
    %dma_start3A_41 = arith.constant 0 : i32
    %dma_start3A_42 = arith.constant 0 : i32
    %dma_start3A_43 = tpu.memref_slice %arg6[%dma_start3A_39, %dma_start3A_41, %dma_start3A_42] : memref<2x2x100xi32, #tpu.memory_space<vmem>> -> memref<1x2x100xi32, #tpu.memory_space<vmem>>
    %dma_start3A_44 = tpu.memref_squeeze %dma_start3A_43 : memref<1x2x100xi32, #tpu.memory_space<vmem>> -> memref<2x100xi32, #tpu.memory_space<vmem>>
    %dma_start3A_45 = arith.constant 0 : i32
    %dma_start3A_46 = arith.constant 0 : i32
    %dma_start3A_47 = arith.constant 0 : i32
    %dma_start3A_48 = tpu.memref_slice %arg4[%add3A, %dma_start3A_45, %dma_start3A_46, %dma_start3A_47] : memref<32x100x2x100xi32, #tpu.memory_space<hbm>> -> memref<1x100x2x100xi32, #tpu.memory_space<hbm>>
    %dma_start3A_49 = tpu.memref_squeeze %dma_start3A_48 : memref<1x100x2x100xi32, #tpu.memory_space<hbm>> -> memref<100x2x100xi32, #tpu.memory_space<hbm>>
    %dma_start3A_50 = arith.constant 0 : i32
    %dma_start3A_51 = arith.constant 0 : i32
    %dma_start3A_52 = tpu.memref_slice %dma_start3A_49[%dma_start3A_38, %dma_start3A_50, %dma_start3A_51] : memref<100x2x100xi32, #tpu.memory_space<hbm>> -> memref<1x2x100xi32, #tpu.memory_space<hbm>>
    %dma_start3A_53 = tpu.memref_squeeze %dma_start3A_52 : memref<1x2x100xi32, #tpu.memory_space<hbm>> -> memref<2x100xi32, #tpu.memory_space<hbm>>
    %dma_start3A_54 = tpu.memref_slice %arg9[%dma_start3A_40] : memref<2x!tpu.dma_semaphore, #tpu.memory_space<semaphore_mem>> -> memref<1x!tpu.dma_semaphore, #tpu.memory_space<semaphore_mem>>
    %dma_start3A_55 = tpu.memref_squeeze %dma_start3A_54 : memref<1x!tpu.dma_semaphore, #tpu.memory_space<semaphore_mem>> -> memref<!tpu.dma_semaphore, #tpu.memory_space<semaphore_mem>>
    %dma_start3A_56 = arith.constant 0 : i32
    %dma_start3A_57 = arith.constant 0 : i32
    %dma_start3A_58 = tpu.memref_slice %arg6[%dma_start3A_39, %dma_start3A_56, %dma_start3A_57] : memref<2x2x100xi32, #tpu.memory_space<vmem>> -> memref<1x2x100xi32, #tpu.memory_space<vmem>>
    %dma_start3A_59 = tpu.memref_squeeze %dma_start3A_58 : memref<1x2x100xi32, #tpu.memory_space<vmem>> -> memref<2x100xi32, #tpu.memory_space<vmem>>
    %dma_start3A_60 = arith.constant 0 : i32
    %dma_start3A_61 = arith.constant 0 : i32
    %dma_start3A_62 = arith.constant 0 : i32
    %dma_start3A_63 = tpu.memref_slice %arg4[%add3A, %dma_start3A_60, %dma_start3A_61, %dma_start3A_62] : memref<32x100x2x100xi32, #tpu.memory_space<hbm>> -> memref<1x100x2x100xi32, #tpu.memory_space<hbm>>
    %dma_start3A_64 = tpu.memref_squeeze %dma_start3A_63 : memref<1x100x2x100xi32, #tpu.memory_space<hbm>> -> memref<100x2x100xi32, #tpu.memory_space<hbm>>
    %dma_start3A_65 = arith.constant 0 : i32
    %dma_start3A_66 = arith.constant 0 : i32
    %dma_start3A_67 = tpu.memref_slice %dma_start3A_64[%dma_start3A_38, %dma_start3A_65, %dma_start3A_66] : memref<100x2x100xi32, #tpu.memory_space<hbm>> -> memref<1x2x100xi32, #tpu.memory_space<hbm>>
    %dma_start3A_68 = tpu.memref_squeeze %dma_start3A_67 : memref<1x2x100xi32, #tpu.memory_space<hbm>> -> memref<2x100xi32, #tpu.memory_space<hbm>>
    tpu.enqueue_dma source(%dma_start3A_68 : memref<2x100xi32, #tpu.memory_space<hbm>>) target(%dma_start3A_59 : memref<2x100xi32, #tpu.memory_space<vmem>>) target_semaphore(%dma_start3A_55 : memref<!tpu.dma_semaphore, #tpu.memory_space<semaphore_mem>>)
    %barrier3A = arith.constant 0 : index
    tpu.barrier barrier_id(%barrier3A)
    %scan3A = arith.constant 0 : i32
    %scan3A_69 = arith.constant 50 : i32
    %scan3A_70 = arith.addi %scan3A, %scan3A_69 : i32
    %scan3A_71 = arith.constant 1 : i32
    scf.for %scan3A_83 = %scan3A to %scan3A_70 step %scan3A_71  : i32 {
      %mul3A_84 = arith.constant 1 : i32
      %mul3A_85 = arith.muli %scan3A_83, %mul3A_84 : i32
      %add3A_86 = arith.constant 0 : i32
      %add3A_87 = arith.addi %add3A_86, %mul3A_85 : i32
      %mul3A_88 = arith.constant 2 : i32
      %mul3A_89 = arith.muli %add3A_87, %mul3A_88 : i32
      %add3A_90 = arith.constant 0 : i32
      %add3A_91 = arith.addi %mul3A_89, %add3A_90 : i32
      %dma_wait3A = arith.constant 0 : i32
      %dma_wait3A_92 = arith.constant 0 : i32
      %dma_wait3A_93 = arith.constant 0 : i32
      %dma_wait3A_94 = arith.constant 0 : i32
      %dma_wait3A_95 = tpu.memref_slice %arg6[%dma_wait3A, %dma_wait3A_93, %dma_wait3A_94] : memref<2x2x100xi32, #tpu.memory_space<vmem>> -> memref<1x2x100xi32, #tpu.memory_space<vmem>>
      %dma_wait3A_96 = tpu.memref_squeeze %dma_wait3A_95 : memref<1x2x100xi32, #tpu.memory_space<vmem>> -> memref<2x100xi32, #tpu.memory_space<vmem>>
      %dma_wait3A_97 = arith.constant 0 : i32
      %dma_wait3A_98 = arith.constant 0 : i32
      %dma_wait3A_99 = arith.constant 0 : i32
      %dma_wait3A_100 = tpu.memref_slice %arg4[%add3A, %dma_wait3A_97, %dma_wait3A_98, %dma_wait3A_99] : memref<32x100x2x100xi32, #tpu.memory_space<hbm>> -> memref<1x100x2x100xi32, #tpu.memory_space<hbm>>
      %dma_wait3A_101 = tpu.memref_squeeze %dma_wait3A_100 : memref<1x100x2x100xi32, #tpu.memory_space<hbm>> -> memref<100x2x100xi32, #tpu.memory_space<hbm>>
      %dma_wait3A_102 = arith.constant 0 : i32
      %dma_wait3A_103 = arith.constant 0 : i32
      %dma_wait3A_104 = tpu.memref_slice %dma_wait3A_101[%add3A_91, %dma_wait3A_102, %dma_wait3A_103] : memref<100x2x100xi32, #tpu.memory_space<hbm>> -> memref<1x2x100xi32, #tpu.memory_space<hbm>>
      %dma_wait3A_105 = tpu.memref_squeeze %dma_wait3A_104 : memref<1x2x100xi32, #tpu.memory_space<hbm>> -> memref<2x100xi32, #tpu.memory_space<hbm>>
      %dma_wait3A_106 = tpu.memref_slice %arg9[%dma_wait3A_92] : memref<2x!tpu.dma_semaphore, #tpu.memory_space<semaphore_mem>> -> memref<1x!tpu.dma_semaphore, #tpu.memory_space<semaphore_mem>>
      %dma_wait3A_107 = tpu.memref_squeeze %dma_wait3A_106 : memref<1x!tpu.dma_semaphore, #tpu.memory_space<semaphore_mem>> -> memref<!tpu.dma_semaphore, #tpu.memory_space<semaphore_mem>>
      %dma_wait3A_108 = arith.constant 0 : i32
      %dma_wait3A_109 = arith.constant 0 : i32
      %dma_wait3A_110 = tpu.memref_slice %arg6[%dma_wait3A, %dma_wait3A_108, %dma_wait3A_109] : memref<2x2x100xi32, #tpu.memory_space<vmem>> -> memref<1x2x100xi32, #tpu.memory_space<vmem>>
      %dma_wait3A_111 = tpu.memref_squeeze %dma_wait3A_110 : memref<1x2x100xi32, #tpu.memory_space<vmem>> -> memref<2x100xi32, #tpu.memory_space<vmem>>
      %dma_wait3A_112 = arith.constant 0 : i32
      %dma_wait3A_113 = arith.constant 0 : i32
      %dma_wait3A_114 = arith.constant 0 : i32
      %dma_wait3A_115 = tpu.memref_slice %arg4[%add3A, %dma_wait3A_112, %dma_wait3A_113, %dma_wait3A_114] : memref<32x100x2x100xi32, #tpu.memory_space<hbm>> -> memref<1x100x2x100xi32, #tpu.memory_space<hbm>>
      %dma_wait3A_116 = tpu.memref_squeeze %dma_wait3A_115 : memref<1x100x2x100xi32, #tpu.memory_space<hbm>> -> memref<100x2x100xi32, #tpu.memory_space<hbm>>
      %dma_wait3A_117 = arith.constant 0 : i32
      %dma_wait3A_118 = arith.constant 0 : i32
      %dma_wait3A_119 = tpu.memref_slice %dma_wait3A_116[%add3A_91, %dma_wait3A_117, %dma_wait3A_118] : memref<100x2x100xi32, #tpu.memory_space<hbm>> -> memref<1x2x100xi32, #tpu.memory_space<hbm>>
      %dma_wait3A_120 = tpu.memref_squeeze %dma_wait3A_119 : memref<1x2x100xi32, #tpu.memory_space<hbm>> -> memref<2x100xi32, #tpu.memory_space<hbm>>
      tpu.wait_dma2 semaphore(%dma_wait3A_107 : memref<!tpu.dma_semaphore, #tpu.memory_space<semaphore_mem>>) src(%dma_wait3A_120 : memref<2x100xi32, #tpu.memory_space<hbm>>) dst(%dma_wait3A_111 : memref<2x100xi32, #tpu.memory_space<vmem>>)
      %dma_start3A_121 = arith.constant 0 : i32
      %dma_start3A_122 = arith.constant 0 : i32
      %dma_start3A_123 = arith.constant 0 : i32
      %dma_start3A_124 = arith.constant 0 : i32
      %dma_start3A_125 = arith.constant 0 : i32
      %dma_start3A_126 = arith.constant 0 : i32
      %dma_start3A_127 = tpu.memref_slice %arg7[%dma_start3A_123, %dma_start3A_125, %dma_start3A_126] : memref<2x100x128xf32, #tpu.memory_space<vmem>> -> memref<1x100x128xf32, #tpu.memory_space<vmem>>
      %dma_start3A_128 = tpu.memref_squeeze %dma_start3A_127 : memref<1x100x128xf32, #tpu.memory_space<vmem>> -> memref<100x128xf32, #tpu.memory_space<vmem>>
      %dma_start3A_129 = arith.constant 0 : i32
      %dma_start3A_130 = arith.constant 0 : i32
      %dma_start3A_131 = tpu.memref_slice %arg6[%dma_start3A_121, %dma_start3A_129, %dma_start3A_130] : memref<2x2x100xi32, #tpu.memory_space<vmem>> -> memref<1x2x100xi32, #tpu.memory_space<vmem>>
      %dma_start3A_132 = tpu.memref_squeeze %dma_start3A_131 : memref<1x2x100xi32, #tpu.memory_space<vmem>> -> memref<2x100xi32, #tpu.memory_space<vmem>>
      %dma_start3A_133 = arith.constant 0 : i32
      %dma_start3A_134 = tpu.memref_slice %dma_start3A_132[%dma_start3A_122, %dma_start3A_133] : memref<2x100xi32, #tpu.memory_space<vmem>> -> memref<1x100xi32, #tpu.memory_space<vmem>>
      %dma_start3A_135 = tpu.memref_squeeze %dma_start3A_134 : memref<1x100xi32, #tpu.memory_space<vmem>> -> memref<100xi32, #tpu.memory_space<vmem>>
      %dma_start3A_136 = arith.constant 0 : i32
      %dma_start3A_137 = arith.constant 0 : i32
      %dma_start3A_138 = tpu.memref_slice %arg2[%dma_start3A_136, %dma_start3A_137] : memref<10000x128xf32, #tpu.memory_space<hbm>> -> memref<10000x128xf32, #tpu.memory_space<hbm>>
      %dma_start3A_139 = tpu.memref_slice %arg10[%dma_start3A_124] : memref<2x!tpu.dma_semaphore, #tpu.memory_space<semaphore_mem>> -> memref<1x!tpu.dma_semaphore, #tpu.memory_space<semaphore_mem>>
      %dma_start3A_140 = tpu.memref_squeeze %dma_start3A_139 : memref<1x!tpu.dma_semaphore, #tpu.memory_space<semaphore_mem>> -> memref<!tpu.dma_semaphore, #tpu.memory_space<semaphore_mem>>
      tpu.enqueue_indirect_dma source(%dma_start3A_138 : memref<10000x128xf32, #tpu.memory_space<hbm>>) target(%dma_start3A_128 : memref<100x128xf32, #tpu.memory_space<vmem>>) offsets(%dma_start3A_135 : memref<100xi32, #tpu.memory_space<vmem>>) semaphore(%dma_start3A_140 : memref<!tpu.dma_semaphore, #tpu.memory_space<semaphore_mem>>)
      %add3A_141 = arith.constant 1 : i32
      %add3A_142 = arith.addi %mul3A_89, %add3A_141 : i32
      %dma_wait3A_143 = arith.constant 1 : i32
      %dma_wait3A_144 = arith.constant 1 : i32
      %dma_wait3A_145 = arith.constant 0 : i32
      %dma_wait3A_146 = arith.constant 0 : i32
      %dma_wait3A_147 = tpu.memref_slice %arg6[%dma_wait3A_143, %dma_wait3A_145, %dma_wait3A_146] : memref<2x2x100xi32, #tpu.memory_space<vmem>> -> memref<1x2x100xi32, #tpu.memory_space<vmem>>
      %dma_wait3A_148 = tpu.memref_squeeze %dma_wait3A_147 : memref<1x2x100xi32, #tpu.memory_space<vmem>> -> memref<2x100xi32, #tpu.memory_space<vmem>>
      %dma_wait3A_149 = arith.constant 0 : i32
      %dma_wait3A_150 = arith.constant 0 : i32
      %dma_wait3A_151 = arith.constant 0 : i32
      %dma_wait3A_152 = tpu.memref_slice %arg4[%add3A, %dma_wait3A_149, %dma_wait3A_150, %dma_wait3A_151] : memref<32x100x2x100xi32, #tpu.memory_space<hbm>> -> memref<1x100x2x100xi32, #tpu.memory_space<hbm>>
      %dma_wait3A_153 = tpu.memref_squeeze %dma_wait3A_152 : memref<1x100x2x100xi32, #tpu.memory_space<hbm>> -> memref<100x2x100xi32, #tpu.memory_space<hbm>>
      %dma_wait3A_154 = arith.constant 0 : i32
      %dma_wait3A_155 = arith.constant 0 : i32
      %dma_wait3A_156 = tpu.memref_slice %dma_wait3A_153[%add3A_142, %dma_wait3A_154, %dma_wait3A_155] : memref<100x2x100xi32, #tpu.memory_space<hbm>> -> memref<1x2x100xi32, #tpu.memory_space<hbm>>
      %dma_wait3A_157 = tpu.memref_squeeze %dma_wait3A_156 : memref<1x2x100xi32, #tpu.memory_space<hbm>> -> memref<2x100xi32, #tpu.memory_space<hbm>>
      %dma_wait3A_158 = tpu.memref_slice %arg9[%dma_wait3A_144] : memref<2x!tpu.dma_semaphore, #tpu.memory_space<semaphore_mem>> -> memref<1x!tpu.dma_semaphore, #tpu.memory_space<semaphore_mem>>
      %dma_wait3A_159 = tpu.memref_squeeze %dma_wait3A_158 : memref<1x!tpu.dma_semaphore, #tpu.memory_space<semaphore_mem>> -> memref<!tpu.dma_semaphore, #tpu.memory_space<semaphore_mem>>
      %dma_wait3A_160 = arith.constant 0 : i32
      %dma_wait3A_161 = arith.constant 0 : i32
      %dma_wait3A_162 = tpu.memref_slice %arg6[%dma_wait3A_143, %dma_wait3A_160, %dma_wait3A_161] : memref<2x2x100xi32, #tpu.memory_space<vmem>> -> memref<1x2x100xi32, #tpu.memory_space<vmem>>
      %dma_wait3A_163 = tpu.memref_squeeze %dma_wait3A_162 : memref<1x2x100xi32, #tpu.memory_space<vmem>> -> memref<2x100xi32, #tpu.memory_space<vmem>>
      %dma_wait3A_164 = arith.constant 0 : i32
      %dma_wait3A_165 = arith.constant 0 : i32
      %dma_wait3A_166 = arith.constant 0 : i32
      %dma_wait3A_167 = tpu.memref_slice %arg4[%add3A, %dma_wait3A_164, %dma_wait3A_165, %dma_wait3A_166] : memref<32x100x2x100xi32, #tpu.memory_space<hbm>> -> memref<1x100x2x100xi32, #tpu.memory_space<hbm>>
      %dma_wait3A_168 = tpu.memref_squeeze %dma_wait3A_167 : memref<1x100x2x100xi32, #tpu.memory_space<hbm>> -> memref<100x2x100xi32, #tpu.memory_space<hbm>>
      %dma_wait3A_169 = arith.constant 0 : i32
      %dma_wait3A_170 = arith.constant 0 : i32
      %dma_wait3A_171 = tpu.memref_slice %dma_wait3A_168[%add3A_142, %dma_wait3A_169, %dma_wait3A_170] : memref<100x2x100xi32, #tpu.memory_space<hbm>> -> memref<1x2x100xi32, #tpu.memory_space<hbm>>
      %dma_wait3A_172 = tpu.memref_squeeze %dma_wait3A_171 : memref<1x2x100xi32, #tpu.memory_space<hbm>> -> memref<2x100xi32, #tpu.memory_space<hbm>>
      tpu.wait_dma2 semaphore(%dma_wait3A_159 : memref<!tpu.dma_semaphore, #tpu.memory_space<semaphore_mem>>) src(%dma_wait3A_172 : memref<2x100xi32, #tpu.memory_space<hbm>>) dst(%dma_wait3A_163 : memref<2x100xi32, #tpu.memory_space<vmem>>)
      %dma_start3A_173 = arith.constant 1 : i32
      %dma_start3A_174 = arith.constant 0 : i32
      %dma_start3A_175 = arith.constant 1 : i32
      %dma_start3A_176 = arith.constant 1 : i32
      %dma_start3A_177 = arith.constant 0 : i32
      %dma_start3A_178 = arith.constant 0 : i32
      %dma_start3A_179 = tpu.memref_slice %arg7[%dma_start3A_175, %dma_start3A_177, %dma_start3A_178] : memref<2x100x128xf32, #tpu.memory_space<vmem>> -> memref<1x100x128xf32, #tpu.memory_space<vmem>>
      %dma_start3A_180 = tpu.memref_squeeze %dma_start3A_179 : memref<1x100x128xf32, #tpu.memory_space<vmem>> -> memref<100x128xf32, #tpu.memory_space<vmem>>
      %dma_start3A_181 = arith.constant 0 : i32
      %dma_start3A_182 = arith.constant 0 : i32
      %dma_start3A_183 = tpu.memref_slice %arg6[%dma_start3A_173, %dma_start3A_181, %dma_start3A_182] : memref<2x2x100xi32, #tpu.memory_space<vmem>> -> memref<1x2x100xi32, #tpu.memory_space<vmem>>
      %dma_start3A_184 = tpu.memref_squeeze %dma_start3A_183 : memref<1x2x100xi32, #tpu.memory_space<vmem>> -> memref<2x100xi32, #tpu.memory_space<vmem>>
      %dma_start3A_185 = arith.constant 0 : i32
      %dma_start3A_186 = tpu.memref_slice %dma_start3A_184[%dma_start3A_174, %dma_start3A_185] : memref<2x100xi32, #tpu.memory_space<vmem>> -> memref<1x100xi32, #tpu.memory_space<vmem>>
      %dma_start3A_187 = tpu.memref_squeeze %dma_start3A_186 : memref<1x100xi32, #tpu.memory_space<vmem>> -> memref<100xi32, #tpu.memory_space<vmem>>
      %dma_start3A_188 = arith.constant 0 : i32
      %dma_start3A_189 = arith.constant 0 : i32
      %dma_start3A_190 = tpu.memref_slice %arg2[%dma_start3A_188, %dma_start3A_189] : memref<10000x128xf32, #tpu.memory_space<hbm>> -> memref<10000x128xf32, #tpu.memory_space<hbm>>
      %dma_start3A_191 = tpu.memref_slice %arg10[%dma_start3A_176] : memref<2x!tpu.dma_semaphore, #tpu.memory_space<semaphore_mem>> -> memref<1x!tpu.dma_semaphore, #tpu.memory_space<semaphore_mem>>
      %dma_start3A_192 = tpu.memref_squeeze %dma_start3A_191 : memref<1x!tpu.dma_semaphore, #tpu.memory_space<semaphore_mem>> -> memref<!tpu.dma_semaphore, #tpu.memory_space<semaphore_mem>>
      tpu.enqueue_indirect_dma source(%dma_start3A_190 : memref<10000x128xf32, #tpu.memory_space<hbm>>) target(%dma_start3A_180 : memref<100x128xf32, #tpu.memory_space<vmem>>) offsets(%dma_start3A_187 : memref<100xi32, #tpu.memory_space<vmem>>) semaphore(%dma_start3A_192 : memref<!tpu.dma_semaphore, #tpu.memory_space<semaphore_mem>>)
      %dma_wait3A_193 = arith.constant 0 : i32
      %dma_wait3A_194 = arith.constant 0 : i32
      %dma_wait3A_195 = arith.constant 0 : i32
      %dma_wait3A_196 = arith.constant 0 : i32
      %dma_wait3A_197 = arith.constant 0 : i32
      %dma_wait3A_198 = arith.constant 0 : i32
      %dma_wait3A_199 = tpu.memref_slice %arg7[%dma_wait3A_195, %dma_wait3A_197, %dma_wait3A_198] : memref<2x100x128xf32, #tpu.memory_space<vmem>> -> memref<1x100x128xf32, #tpu.memory_space<vmem>>
      %dma_wait3A_200 = tpu.memref_squeeze %dma_wait3A_199 : memref<1x100x128xf32, #tpu.memory_space<vmem>> -> memref<100x128xf32, #tpu.memory_space<vmem>>
      %dma_wait3A_201 = arith.constant 0 : i32
      %dma_wait3A_202 = arith.constant 0 : i32
      %dma_wait3A_203 = tpu.memref_slice %arg6[%dma_wait3A_193, %dma_wait3A_201, %dma_wait3A_202] : memref<2x2x100xi32, #tpu.memory_space<vmem>> -> memref<1x2x100xi32, #tpu.memory_space<vmem>>
      %dma_wait3A_204 = tpu.memref_squeeze %dma_wait3A_203 : memref<1x2x100xi32, #tpu.memory_space<vmem>> -> memref<2x100xi32, #tpu.memory_space<vmem>>
      %dma_wait3A_205 = arith.constant 0 : i32
      %dma_wait3A_206 = tpu.memref_slice %dma_wait3A_204[%dma_wait3A_194, %dma_wait3A_205] : memref<2x100xi32, #tpu.memory_space<vmem>> -> memref<1x100xi32, #tpu.memory_space<vmem>>
      %dma_wait3A_207 = tpu.memref_squeeze %dma_wait3A_206 : memref<1x100xi32, #tpu.memory_space<vmem>> -> memref<100xi32, #tpu.memory_space<vmem>>
      %dma_wait3A_208 = arith.constant 0 : i32
      %dma_wait3A_209 = arith.constant 0 : i32
      %dma_wait3A_210 = tpu.memref_slice %arg2[%dma_wait3A_208, %dma_wait3A_209] : memref<10000x128xf32, #tpu.memory_space<hbm>> -> memref<10000x128xf32, #tpu.memory_space<hbm>>
      %dma_wait3A_211 = tpu.memref_slice %arg10[%dma_wait3A_196] : memref<2x!tpu.dma_semaphore, #tpu.memory_space<semaphore_mem>> -> memref<1x!tpu.dma_semaphore, #tpu.memory_space<semaphore_mem>>
      %dma_wait3A_212 = tpu.memref_squeeze %dma_wait3A_211 : memref<1x!tpu.dma_semaphore, #tpu.memory_space<semaphore_mem>> -> memref<!tpu.dma_semaphore, #tpu.memory_space<semaphore_mem>>
      tpu.wait_indirect_dma semaphore(%dma_wait3A_212 : memref<!tpu.dma_semaphore, #tpu.memory_space<semaphore_mem>>) src(%dma_wait3A_210 : memref<10000x128xf32, #tpu.memory_space<hbm>>) dst(%dma_wait3A_200 : memref<100x128xf32, #tpu.memory_space<vmem>>)
      %dma_start3A_213 = arith.constant 0 : i32
      %dma_start3A_214 = arith.constant 0 : i32
      %dma_start3A_215 = arith.constant 1 : i32
      %dma_start3A_216 = arith.constant 0 : i32
      %dma_start3A_217 = arith.constant 0 : i32
      %dma_start3A_218 = arith.constant 0 : i32
      %dma_start3A_219 = tpu.memref_slice %arg7[%dma_start3A_213, %dma_start3A_217, %dma_start3A_218] : memref<2x100x128xf32, #tpu.memory_space<vmem>> -> memref<1x100x128xf32, #tpu.memory_space<vmem>>
      %dma_start3A_220 = tpu.memref_squeeze %dma_start3A_219 : memref<1x100x128xf32, #tpu.memory_space<vmem>> -> memref<100x128xf32, #tpu.memory_space<vmem>>
      %dma_start3A_221 = arith.constant 0 : i32
      %dma_start3A_222 = arith.constant 0 : i32
      %dma_start3A_223 = tpu.memref_slice %arg6[%dma_start3A_214, %dma_start3A_221, %dma_start3A_222] : memref<2x2x100xi32, #tpu.memory_space<vmem>> -> memref<1x2x100xi32, #tpu.memory_space<vmem>>
      %dma_start3A_224 = tpu.memref_squeeze %dma_start3A_223 : memref<1x2x100xi32, #tpu.memory_space<vmem>> -> memref<2x100xi32, #tpu.memory_space<vmem>>
      %dma_start3A_225 = arith.constant 0 : i32
      %dma_start3A_226 = tpu.memref_slice %dma_start3A_224[%dma_start3A_215, %dma_start3A_225] : memref<2x100xi32, #tpu.memory_space<vmem>> -> memref<1x100xi32, #tpu.memory_space<vmem>>
      %dma_start3A_227 = tpu.memref_squeeze %dma_start3A_226 : memref<1x100xi32, #tpu.memory_space<vmem>> -> memref<100xi32, #tpu.memory_space<vmem>>
      %dma_start3A_228 = arith.constant 0 : i32
      %dma_start3A_229 = arith.constant 0 : i32
      %dma_start3A_230 = tpu.memref_slice %arg8[%dma_start3A_228, %dma_start3A_229] : memref<10000x128xf32, #tpu.memory_space<vmem_shared>> -> memref<10000x128xf32, #tpu.memory_space<vmem_shared>>
      %dma_start3A_231 = tpu.memref_slice %arg11[%dma_start3A_216] : memref<2x!tpu.dma_semaphore, #tpu.memory_space<semaphore_mem>> -> memref<1x!tpu.dma_semaphore, #tpu.memory_space<semaphore_mem>>
      %dma_start3A_232 = tpu.memref_squeeze %dma_start3A_231 : memref<1x!tpu.dma_semaphore, #tpu.memory_space<semaphore_mem>> -> memref<!tpu.dma_semaphore, #tpu.memory_space<semaphore_mem>>
      tpu.enqueue_indirect_dma source(%dma_start3A_220 : memref<100x128xf32, #tpu.memory_space<vmem>>) target(%dma_start3A_230 : memref<10000x128xf32, #tpu.memory_space<vmem_shared>>) offsets(%dma_start3A_227 : memref<100xi32, #tpu.memory_space<vmem>>) semaphore(%dma_start3A_232 : memref<!tpu.dma_semaphore, #tpu.memory_space<semaphore_mem>>) {add = true}
      %dma_wait3A_233 = arith.constant 1 : i32
      %dma_wait3A_234 = arith.constant 0 : i32
      %dma_wait3A_235 = arith.constant 1 : i32
      %dma_wait3A_236 = arith.constant 1 : i32
      %dma_wait3A_237 = arith.constant 0 : i32
      %dma_wait3A_238 = arith.constant 0 : i32
      %dma_wait3A_239 = tpu.memref_slice %arg7[%dma_wait3A_235, %dma_wait3A_237, %dma_wait3A_238] : memref<2x100x128xf32, #tpu.memory_space<vmem>> -> memref<1x100x128xf32, #tpu.memory_space<vmem>>
      %dma_wait3A_240 = tpu.memref_squeeze %dma_wait3A_239 : memref<1x100x128xf32, #tpu.memory_space<vmem>> -> memref<100x128xf32, #tpu.memory_space<vmem>>
      %dma_wait3A_241 = arith.constant 0 : i32
      %dma_wait3A_242 = arith.constant 0 : i32
      %dma_wait3A_243 = tpu.memref_slice %arg6[%dma_wait3A_233, %dma_wait3A_241, %dma_wait3A_242] : memref<2x2x100xi32, #tpu.memory_space<vmem>> -> memref<1x2x100xi32, #tpu.memory_space<vmem>>
      %dma_wait3A_244 = tpu.memref_squeeze %dma_wait3A_243 : memref<1x2x100xi32, #tpu.memory_space<vmem>> -> memref<2x100xi32, #tpu.memory_space<vmem>>
      %dma_wait3A_245 = arith.constant 0 : i32
      %dma_wait3A_246 = tpu.memref_slice %dma_wait3A_244[%dma_wait3A_234, %dma_wait3A_245] : memref<2x100xi32, #tpu.memory_space<vmem>> -> memref<1x100xi32, #tpu.memory_space<vmem>>
      %dma_wait3A_247 = tpu.memref_squeeze %dma_wait3A_246 : memref<1x100xi32, #tpu.memory_space<vmem>> -> memref<100xi32, #tpu.memory_space<vmem>>
      %dma_wait3A_248 = arith.constant 0 : i32
      %dma_wait3A_249 = arith.constant 0 : i32
      %dma_wait3A_250 = tpu.memref_slice %arg2[%dma_wait3A_248, %dma_wait3A_249] : memref<10000x128xf32, #tpu.memory_space<hbm>> -> memref<10000x128xf32, #tpu.memory_space<hbm>>
      %dma_wait3A_251 = tpu.memref_slice %arg10[%dma_wait3A_236] : memref<2x!tpu.dma_semaphore, #tpu.memory_space<semaphore_mem>> -> memref<1x!tpu.dma_semaphore, #tpu.memory_space<semaphore_mem>>
      %dma_wait3A_252 = tpu.memref_squeeze %dma_wait3A_251 : memref<1x!tpu.dma_semaphore, #tpu.memory_space<semaphore_mem>> -> memref<!tpu.dma_semaphore, #tpu.memory_space<semaphore_mem>>
      tpu.wait_indirect_dma semaphore(%dma_wait3A_252 : memref<!tpu.dma_semaphore, #tpu.memory_space<semaphore_mem>>) src(%dma_wait3A_250 : memref<10000x128xf32, #tpu.memory_space<hbm>>) dst(%dma_wait3A_240 : memref<100x128xf32, #tpu.memory_space<vmem>>)
      %dma_start3A_253 = arith.constant 1 : i32
      %dma_start3A_254 = arith.constant 1 : i32
      %dma_start3A_255 = arith.constant 1 : i32
      %dma_start3A_256 = arith.constant 1 : i32
      %dma_start3A_257 = arith.constant 0 : i32
      %dma_start3A_258 = arith.constant 0 : i32
      %dma_start3A_259 = tpu.memref_slice %arg7[%dma_start3A_253, %dma_start3A_257, %dma_start3A_258] : memref<2x100x128xf32, #tpu.memory_space<vmem>> -> memref<1x100x128xf32, #tpu.memory_space<vmem>>
      %dma_start3A_260 = tpu.memref_squeeze %dma_start3A_259 : memref<1x100x128xf32, #tpu.memory_space<vmem>> -> memref<100x128xf32, #tpu.memory_space<vmem>>
      %dma_start3A_261 = arith.constant 0 : i32
      %dma_start3A_262 = arith.constant 0 : i32
      %dma_start3A_263 = tpu.memref_slice %arg6[%dma_start3A_254, %dma_start3A_261, %dma_start3A_262] : memref<2x2x100xi32, #tpu.memory_space<vmem>> -> memref<1x2x100xi32, #tpu.memory_space<vmem>>
      %dma_start3A_264 = tpu.memref_squeeze %dma_start3A_263 : memref<1x2x100xi32, #tpu.memory_space<vmem>> -> memref<2x100xi32, #tpu.memory_space<vmem>>
      %dma_start3A_265 = arith.constant 0 : i32
      %dma_start3A_266 = tpu.memref_slice %dma_start3A_264[%dma_start3A_255, %dma_start3A_265] : memref<2x100xi32, #tpu.memory_space<vmem>> -> memref<1x100xi32, #tpu.memory_space<vmem>>
      %dma_start3A_267 = tpu.memref_squeeze %dma_start3A_266 : memref<1x100xi32, #tpu.memory_space<vmem>> -> memref<100xi32, #tpu.memory_space<vmem>>
      %dma_start3A_268 = arith.constant 0 : i32
      %dma_start3A_269 = arith.constant 0 : i32
      %dma_start3A_270 = tpu.memref_slice %arg8[%dma_start3A_268, %dma_start3A_269] : memref<10000x128xf32, #tpu.memory_space<vmem_shared>> -> memref<10000x128xf32, #tpu.memory_space<vmem_shared>>
      %dma_start3A_271 = tpu.memref_slice %arg11[%dma_start3A_256] : memref<2x!tpu.dma_semaphore, #tpu.memory_space<semaphore_mem>> -> memref<1x!tpu.dma_semaphore, #tpu.memory_space<semaphore_mem>>
      %dma_start3A_272 = tpu.memref_squeeze %dma_start3A_271 : memref<1x!tpu.dma_semaphore, #tpu.memory_space<semaphore_mem>> -> memref<!tpu.dma_semaphore, #tpu.memory_space<semaphore_mem>>
      tpu.enqueue_indirect_dma source(%dma_start3A_260 : memref<100x128xf32, #tpu.memory_space<vmem>>) target(%dma_start3A_270 : memref<10000x128xf32, #tpu.memory_space<vmem_shared>>) offsets(%dma_start3A_267 : memref<100xi32, #tpu.memory_space<vmem>>) semaphore(%dma_start3A_272 : memref<!tpu.dma_semaphore, #tpu.memory_space<semaphore_mem>>) {add = true}
      %dma_wait3A_273 = arith.constant 0 : i32
      %dma_wait3A_274 = arith.constant 0 : i32
      %dma_wait3A_275 = arith.constant 1 : i32
      %dma_wait3A_276 = arith.constant 0 : i32
      %dma_wait3A_277 = arith.constant 0 : i32
      %dma_wait3A_278 = arith.constant 0 : i32
      %dma_wait3A_279 = tpu.memref_slice %arg7[%dma_wait3A_273, %dma_wait3A_277, %dma_wait3A_278] : memref<2x100x128xf32, #tpu.memory_space<vmem>> -> memref<1x100x128xf32, #tpu.memory_space<vmem>>
      %dma_wait3A_280 = tpu.memref_squeeze %dma_wait3A_279 : memref<1x100x128xf32, #tpu.memory_space<vmem>> -> memref<100x128xf32, #tpu.memory_space<vmem>>
      %dma_wait3A_281 = arith.constant 0 : i32
      %dma_wait3A_282 = arith.constant 0 : i32
      %dma_wait3A_283 = tpu.memref_slice %arg6[%dma_wait3A_274, %dma_wait3A_281, %dma_wait3A_282] : memref<2x2x100xi32, #tpu.memory_space<vmem>> -> memref<1x2x100xi32, #tpu.memory_space<vmem>>
      %dma_wait3A_284 = tpu.memref_squeeze %dma_wait3A_283 : memref<1x2x100xi32, #tpu.memory_space<vmem>> -> memref<2x100xi32, #tpu.memory_space<vmem>>
      %dma_wait3A_285 = arith.constant 0 : i32
      %dma_wait3A_286 = tpu.memref_slice %dma_wait3A_284[%dma_wait3A_275, %dma_wait3A_285] : memref<2x100xi32, #tpu.memory_space<vmem>> -> memref<1x100xi32, #tpu.memory_space<vmem>>
      %dma_wait3A_287 = tpu.memref_squeeze %dma_wait3A_286 : memref<1x100xi32, #tpu.memory_space<vmem>> -> memref<100xi32, #tpu.memory_space<vmem>>
      %dma_wait3A_288 = arith.constant 0 : i32
      %dma_wait3A_289 = arith.constant 0 : i32
      %dma_wait3A_290 = tpu.memref_slice %arg8[%dma_wait3A_288, %dma_wait3A_289] : memref<10000x128xf32, #tpu.memory_space<vmem_shared>> -> memref<10000x128xf32, #tpu.memory_space<vmem_shared>>
      %dma_wait3A_291 = tpu.memref_slice %arg11[%dma_wait3A_276] : memref<2x!tpu.dma_semaphore, #tpu.memory_space<semaphore_mem>> -> memref<1x!tpu.dma_semaphore, #tpu.memory_space<semaphore_mem>>
      %dma_wait3A_292 = tpu.memref_squeeze %dma_wait3A_291 : memref<1x!tpu.dma_semaphore, #tpu.memory_space<semaphore_mem>> -> memref<!tpu.dma_semaphore, #tpu.memory_space<semaphore_mem>>
      tpu.wait_indirect_dma semaphore(%dma_wait3A_292 : memref<!tpu.dma_semaphore, #tpu.memory_space<semaphore_mem>>) src(%dma_wait3A_280 : memref<100x128xf32, #tpu.memory_space<vmem>>) dst(%dma_wait3A_290 : memref<10000x128xf32, #tpu.memory_space<vmem_shared>>)
      %lt3A_293 = arith.constant 49 : i32
      %lt3A_294 = arith.cmpi slt, %add3A_87, %lt3A_293 : i32
      %convert_element_type3A_295 = arith.extui %lt3A_294 : i1 to i32
      %cond3A_296 = arith.constant 0 : i32
      %cond3A_297 = arith.cmpi ne, %convert_element_type3A_295, %cond3A_296 : i32
      scf.if %cond3A_297 {
        %add3A_323 = arith.constant 2 : i32
        %add3A_324 = arith.addi %mul3A_89, %add3A_323 : i32
        %add3A_325 = arith.constant 0 : i32
        %add3A_326 = arith.addi %add3A_324, %add3A_325 : i32
        %dma_start3A_327 = arith.constant 0 : i32
        %dma_start3A_328 = arith.constant 0 : i32
        %dma_start3A_329 = arith.constant 0 : i32
        %dma_start3A_330 = arith.constant 0 : i32
        %dma_start3A_331 = tpu.memref_slice %arg6[%dma_start3A_327, %dma_start3A_329, %dma_start3A_330] : memref<2x2x100xi32, #tpu.memory_space<vmem>> -> memref<1x2x100xi32, #tpu.memory_space<vmem>>
        %dma_start3A_332 = tpu.memref_squeeze %dma_start3A_331 : memref<1x2x100xi32, #tpu.memory_space<vmem>> -> memref<2x100xi32, #tpu.memory_space<vmem>>
        %dma_start3A_333 = arith.constant 0 : i32
        %dma_start3A_334 = arith.constant 0 : i32
        %dma_start3A_335 = arith.constant 0 : i32
        %dma_start3A_336 = tpu.memref_slice %arg4[%add3A, %dma_start3A_333, %dma_start3A_334, %dma_start3A_335] : memref<32x100x2x100xi32, #tpu.memory_space<hbm>> -> memref<1x100x2x100xi32, #tpu.memory_space<hbm>>
        %dma_start3A_337 = tpu.memref_squeeze %dma_start3A_336 : memref<1x100x2x100xi32, #tpu.memory_space<hbm>> -> memref<100x2x100xi32, #tpu.memory_space<hbm>>
        %dma_start3A_338 = arith.constant 0 : i32
        %dma_start3A_339 = arith.constant 0 : i32
        %dma_start3A_340 = tpu.memref_slice %dma_start3A_337[%add3A_326, %dma_start3A_338, %dma_start3A_339] : memref<100x2x100xi32, #tpu.memory_space<hbm>> -> memref<1x2x100xi32, #tpu.memory_space<hbm>>
        %dma_start3A_341 = tpu.memref_squeeze %dma_start3A_340 : memref<1x2x100xi32, #tpu.memory_space<hbm>> -> memref<2x100xi32, #tpu.memory_space<hbm>>
        %dma_start3A_342 = tpu.memref_slice %arg9[%dma_start3A_328] : memref<2x!tpu.dma_semaphore, #tpu.memory_space<semaphore_mem>> -> memref<1x!tpu.dma_semaphore, #tpu.memory_space<semaphore_mem>>
        %dma_start3A_343 = tpu.memref_squeeze %dma_start3A_342 : memref<1x!tpu.dma_semaphore, #tpu.memory_space<semaphore_mem>> -> memref<!tpu.dma_semaphore, #tpu.memory_space<semaphore_mem>>
        %dma_start3A_344 = arith.constant 0 : i32
        %dma_start3A_345 = arith.constant 0 : i32
        %dma_start3A_346 = tpu.memref_slice %arg6[%dma_start3A_327, %dma_start3A_344, %dma_start3A_345] : memref<2x2x100xi32, #tpu.memory_space<vmem>> -> memref<1x2x100xi32, #tpu.memory_space<vmem>>
        %dma_start3A_347 = tpu.memref_squeeze %dma_start3A_346 : memref<1x2x100xi32, #tpu.memory_space<vmem>> -> memref<2x100xi32, #tpu.memory_space<vmem>>
        %dma_start3A_348 = arith.constant 0 : i32
        %dma_start3A_349 = arith.constant 0 : i32
        %dma_start3A_350 = arith.constant 0 : i32
        %dma_start3A_351 = tpu.memref_slice %arg4[%add3A, %dma_start3A_348, %dma_start3A_349, %dma_start3A_350] : memref<32x100x2x100xi32, #tpu.memory_space<hbm>> -> memref<1x100x2x100xi32, #tpu.memory_space<hbm>>
        %dma_start3A_352 = tpu.memref_squeeze %dma_start3A_351 : memref<1x100x2x100xi32, #tpu.memory_space<hbm>> -> memref<100x2x100xi32, #tpu.memory_space<hbm>>
        %dma_start3A_353 = arith.constant 0 : i32
        %dma_start3A_354 = arith.constant 0 : i32
        %dma_start3A_355 = tpu.memref_slice %dma_start3A_352[%add3A_326, %dma_start3A_353, %dma_start3A_354] : memref<100x2x100xi32, #tpu.memory_space<hbm>> -> memref<1x2x100xi32, #tpu.memory_space<hbm>>
        %dma_start3A_356 = tpu.memref_squeeze %dma_start3A_355 : memref<1x2x100xi32, #tpu.memory_space<hbm>> -> memref<2x100xi32, #tpu.memory_space<hbm>>
        tpu.enqueue_dma source(%dma_start3A_356 : memref<2x100xi32, #tpu.memory_space<hbm>>) target(%dma_start3A_347 : memref<2x100xi32, #tpu.memory_space<vmem>>) target_semaphore(%dma_start3A_343 : memref<!tpu.dma_semaphore, #tpu.memory_space<semaphore_mem>>)
      } else {
      }
      %dma_wait3A_298 = arith.constant 1 : i32
      %dma_wait3A_299 = arith.constant 1 : i32
      %dma_wait3A_300 = arith.constant 1 : i32
      %dma_wait3A_301 = arith.constant 1 : i32
      %dma_wait3A_302 = arith.constant 0 : i32
      %dma_wait3A_303 = arith.constant 0 : i32
      %dma_wait3A_304 = tpu.memref_slice %arg7[%dma_wait3A_298, %dma_wait3A_302, %dma_wait3A_303] : memref<2x100x128xf32, #tpu.memory_space<vmem>> -> memref<1x100x128xf32, #tpu.memory_space<vmem>>
      %dma_wait3A_305 = tpu.memref_squeeze %dma_wait3A_304 : memref<1x100x128xf32, #tpu.memory_space<vmem>> -> memref<100x128xf32, #tpu.memory_space<vmem>>
      %dma_wait3A_306 = arith.constant 0 : i32
      %dma_wait3A_307 = arith.constant 0 : i32
      %dma_wait3A_308 = tpu.memref_slice %arg6[%dma_wait3A_299, %dma_wait3A_306, %dma_wait3A_307] : memref<2x2x100xi32, #tpu.memory_space<vmem>> -> memref<1x2x100xi32, #tpu.memory_space<vmem>>
      %dma_wait3A_309 = tpu.memref_squeeze %dma_wait3A_308 : memref<1x2x100xi32, #tpu.memory_space<vmem>> -> memref<2x100xi32, #tpu.memory_space<vmem>>
      %dma_wait3A_310 = arith.constant 0 : i32
      %dma_wait3A_311 = tpu.memref_slice %dma_wait3A_309[%dma_wait3A_300, %dma_wait3A_310] : memref<2x100xi32, #tpu.memory_space<vmem>> -> memref<1x100xi32, #tpu.memory_space<vmem>>
      %dma_wait3A_312 = tpu.memref_squeeze %dma_wait3A_311 : memref<1x100xi32, #tpu.memory_space<vmem>> -> memref<100xi32, #tpu.memory_space<vmem>>
      %dma_wait3A_313 = arith.constant 0 : i32
      %dma_wait3A_314 = arith.constant 0 : i32
      %dma_wait3A_315 = tpu.memref_slice %arg8[%dma_wait3A_313, %dma_wait3A_314] : memref<10000x128xf32, #tpu.memory_space<vmem_shared>> -> memref<10000x128xf32, #tpu.memory_space<vmem_shared>>
      %dma_wait3A_316 = tpu.memref_slice %arg11[%dma_wait3A_301] : memref<2x!tpu.dma_semaphore, #tpu.memory_space<semaphore_mem>> -> memref<1x!tpu.dma_semaphore, #tpu.memory_space<semaphore_mem>>
      %dma_wait3A_317 = tpu.memref_squeeze %dma_wait3A_316 : memref<1x!tpu.dma_semaphore, #tpu.memory_space<semaphore_mem>> -> memref<!tpu.dma_semaphore, #tpu.memory_space<semaphore_mem>>
      tpu.wait_indirect_dma semaphore(%dma_wait3A_317 : memref<!tpu.dma_semaphore, #tpu.memory_space<semaphore_mem>>) src(%dma_wait3A_305 : memref<100x128xf32, #tpu.memory_space<vmem>>) dst(%dma_wait3A_315 : memref<10000x128xf32, #tpu.memory_space<vmem_shared>>)
      %lt3A_318 = arith.constant 49 : i32
      %lt3A_319 = arith.cmpi slt, %add3A_87, %lt3A_318 : i32
      %convert_element_type3A_320 = arith.extui %lt3A_319 : i1 to i32
      %cond3A_321 = arith.constant 0 : i32
      %cond3A_322 = arith.cmpi ne, %convert_element_type3A_320, %cond3A_321 : i32
      scf.if %cond3A_322 {
        %add3A_323 = arith.constant 2 : i32
        %add3A_324 = arith.addi %mul3A_89, %add3A_323 : i32
        %add3A_325 = arith.constant 1 : i32
        %add3A_326 = arith.addi %add3A_324, %add3A_325 : i32
        %dma_start3A_327 = arith.constant 1 : i32
        %dma_start3A_328 = arith.constant 1 : i32
        %dma_start3A_329 = arith.constant 0 : i32
        %dma_start3A_330 = arith.constant 0 : i32
        %dma_start3A_331 = tpu.memref_slice %arg6[%dma_start3A_327, %dma_start3A_329, %dma_start3A_330] : memref<2x2x100xi32, #tpu.memory_space<vmem>> -> memref<1x2x100xi32, #tpu.memory_space<vmem>>
        %dma_start3A_332 = tpu.memref_squeeze %dma_start3A_331 : memref<1x2x100xi32, #tpu.memory_space<vmem>> -> memref<2x100xi32, #tpu.memory_space<vmem>>
        %dma_start3A_333 = arith.constant 0 : i32
        %dma_start3A_334 = arith.constant 0 : i32
        %dma_start3A_335 = arith.constant 0 : i32
        %dma_start3A_336 = tpu.memref_slice %arg4[%add3A, %dma_start3A_333, %dma_start3A_334, %dma_start3A_335] : memref<32x100x2x100xi32, #tpu.memory_space<hbm>> -> memref<1x100x2x100xi32, #tpu.memory_space<hbm>>
        %dma_start3A_337 = tpu.memref_squeeze %dma_start3A_336 : memref<1x100x2x100xi32, #tpu.memory_space<hbm>> -> memref<100x2x100xi32, #tpu.memory_space<hbm>>
        %dma_start3A_338 = arith.constant 0 : i32
        %dma_start3A_339 = arith.constant 0 : i32
        %dma_start3A_340 = tpu.memref_slice %dma_start3A_337[%add3A_326, %dma_start3A_338, %dma_start3A_339] : memref<100x2x100xi32, #tpu.memory_space<hbm>> -> memref<1x2x100xi32, #tpu.memory_space<hbm>>
        %dma_start3A_341 = tpu.memref_squeeze %dma_start3A_340 : memref<1x2x100xi32, #tpu.memory_space<hbm>> -> memref<2x100xi32, #tpu.memory_space<hbm>>
        %dma_start3A_342 = tpu.memref_slice %arg9[%dma_start3A_328] : memref<2x!tpu.dma_semaphore, #tpu.memory_space<semaphore_mem>> -> memref<1x!tpu.dma_semaphore, #tpu.memory_space<semaphore_mem>>
        %dma_start3A_343 = tpu.memref_squeeze %dma_start3A_342 : memref<1x!tpu.dma_semaphore, #tpu.memory_space<semaphore_mem>> -> memref<!tpu.dma_semaphore, #tpu.memory_space<semaphore_mem>>
        %dma_start3A_344 = arith.constant 0 : i32
        %dma_start3A_345 = arith.constant 0 : i32
        %dma_start3A_346 = tpu.memref_slice %arg6[%dma_start3A_327, %dma_start3A_344, %dma_start3A_345] : memref<2x2x100xi32, #tpu.memory_space<vmem>> -> memref<1x2x100xi32, #tpu.memory_space<vmem>>
        %dma_start3A_347 = tpu.memref_squeeze %dma_start3A_346 : memref<1x2x100xi32, #tpu.memory_space<vmem>> -> memref<2x100xi32, #tpu.memory_space<vmem>>
        %dma_start3A_348 = arith.constant 0 : i32
        %dma_start3A_349 = arith.constant 0 : i32
        %dma_start3A_350 = arith.constant 0 : i32
        %dma_start3A_351 = tpu.memref_slice %arg4[%add3A, %dma_start3A_348, %dma_start3A_349, %dma_start3A_350] : memref<32x100x2x100xi32, #tpu.memory_space<hbm>> -> memref<1x100x2x100xi32, #tpu.memory_space<hbm>>
        %dma_start3A_352 = tpu.memref_squeeze %dma_start3A_351 : memref<1x100x2x100xi32, #tpu.memory_space<hbm>> -> memref<100x2x100xi32, #tpu.memory_space<hbm>>
        %dma_start3A_353 = arith.constant 0 : i32
        %dma_start3A_354 = arith.constant 0 : i32
        %dma_start3A_355 = tpu.memref_slice %dma_start3A_352[%add3A_326, %dma_start3A_353, %dma_start3A_354] : memref<100x2x100xi32, #tpu.memory_space<hbm>> -> memref<1x2x100xi32, #tpu.memory_space<hbm>>
        %dma_start3A_356 = tpu.memref_squeeze %dma_start3A_355 : memref<1x2x100xi32, #tpu.memory_space<hbm>> -> memref<2x100xi32, #tpu.memory_space<hbm>>
        tpu.enqueue_dma source(%dma_start3A_356 : memref<2x100xi32, #tpu.memory_space<hbm>>) target(%dma_start3A_347 : memref<2x100xi32, #tpu.memory_space<vmem>>) target_semaphore(%dma_start3A_343 : memref<!tpu.dma_semaphore, #tpu.memory_space<semaphore_mem>>)
      } else {
      }
    }
    %scan3A_72 = arith.constant 50 : i32
    %barrier3A_73 = arith.constant 0 : index
    tpu.barrier barrier_id(%barrier3A_73)
    %lt3A = arith.constant 15 : i32
    %lt3A_74 = arith.cmpi slt, %arg1, %lt3A : i32
    %convert_element_type3A_75 = arith.extui %lt3A_74 : i1 to i32
    %cond3A_76 = arith.constant 0 : i32
    %cond3A_77 = arith.cmpi ne, %convert_element_type3A_75, %cond3A_76 : i32
    scf.if %cond3A_77 {
      %mul3A_83 = arith.constant 624 : i32
      %mul3A_84 = arith.muli %arg1, %mul3A_83 : i32
      "tpu.region"() ({
        %run_scoped3A = tpu.sem_alloc : memref<!tpu.dma_semaphore, #tpu.memory_space<semaphore_mem>>
        %dma_start3A_85 = arith.constant 0 : i32
        %dma_start3A_86 = arith.constant 0 : i32
        %dma_start3A_87 = tpu.memref_slice %arg5[%arg0, %dma_start3A_85, %dma_start3A_86] : memref<2x10000x128xf32, #tpu.memory_space<hbm>> -> memref<1x10000x128xf32, #tpu.memory_space<hbm>>
        %dma_start3A_88 = tpu.memref_squeeze %dma_start3A_87 : memref<1x10000x128xf32, #tpu.memory_space<hbm>> -> memref<10000x128xf32, #tpu.memory_space<hbm>>
        %dma_start3A_89 = arith.constant 0 : i32
        %dma_start3A_90 = tpu.memref_slice %dma_start3A_88[%mul3A_84, %dma_start3A_89] : memref<10000x128xf32, #tpu.memory_space<hbm>> -> memref<624x128xf32, #tpu.memory_space<hbm>>
        %dma_start3A_91 = arith.constant 0 : i32
        %dma_start3A_92 = tpu.memref_slice %arg8[%mul3A_84, %dma_start3A_91] : memref<10000x128xf32, #tpu.memory_space<vmem_shared>> -> memref<624x128xf32, #tpu.memory_space<vmem_shared>>
        tpu.enqueue_dma source(%dma_start3A_92 : memref<624x128xf32, #tpu.memory_space<vmem_shared>>) target(%dma_start3A_90 : memref<624x128xf32, #tpu.memory_space<hbm>>) target_semaphore(%run_scoped3A : memref<!tpu.dma_semaphore, #tpu.memory_space<semaphore_mem>>)
        %dma_wait3A = arith.constant 0 : i32
        %dma_wait3A_93 = arith.constant 0 : i32
        %dma_wait3A_94 = tpu.memref_slice %arg5[%arg0, %dma_wait3A, %dma_wait3A_93] : memref<2x10000x128xf32, #tpu.memory_space<hbm>> -> memref<1x10000x128xf32, #tpu.memory_space<hbm>>
        %dma_wait3A_95 = tpu.memref_squeeze %dma_wait3A_94 : memref<1x10000x128xf32, #tpu.memory_space<hbm>> -> memref<10000x128xf32, #tpu.memory_space<hbm>>
        %dma_wait3A_96 = arith.constant 0 : i32
        %dma_wait3A_97 = tpu.memref_slice %dma_wait3A_95[%mul3A_84, %dma_wait3A_96] : memref<10000x128xf32, #tpu.memory_space<hbm>> -> memref<624x128xf32, #tpu.memory_space<hbm>>
        %dma_wait3A_98 = arith.constant 0 : i32
        %dma_wait3A_99 = tpu.memref_slice %arg8[%mul3A_84, %dma_wait3A_98] : memref<10000x128xf32, #tpu.memory_space<vmem_shared>> -> memref<624x128xf32, #tpu.memory_space<vmem_shared>>
        tpu.wait_dma2 semaphore(%run_scoped3A : memref<!tpu.dma_semaphore, #tpu.memory_space<semaphore_mem>>) src(%dma_wait3A_99 : memref<624x128xf32, #tpu.memory_space<vmem_shared>>) dst(%dma_wait3A_97 : memref<624x128xf32, #tpu.memory_space<hbm>>)
        tpu.yield
      }) : () -> ()
    } else {
    }
    %eq3A_78 = arith.constant 15 : i32
    %eq3A_79 = arith.cmpi eq, %arg1, %eq3A_78 : i32
    %convert_element_type3A_80 = arith.extui %eq3A_79 : i1 to i32
    %cond3A_81 = arith.constant 0 : i32
    %cond3A_82 = arith.cmpi ne, %convert_element_type3A_80, %cond3A_81 : i32
    scf.if %cond3A_82 {
      "tpu.region"() ({
        %run_scoped3A = tpu.sem_alloc : memref<!tpu.dma_semaphore, #tpu.memory_space<semaphore_mem>>
        %dma_start3A_83 = arith.constant 0 : i32
        %dma_start3A_84 = arith.constant 0 : i32
        %dma_start3A_85 = tpu.memref_slice %arg5[%arg0, %dma_start3A_83, %dma_start3A_84] : memref<2x10000x128xf32, #tpu.memory_space<hbm>> -> memref<1x10000x128xf32, #tpu.memory_space<hbm>>
        %dma_start3A_86 = tpu.memref_squeeze %dma_start3A_85 : memref<1x10000x128xf32, #tpu.memory_space<hbm>> -> memref<10000x128xf32, #tpu.memory_space<hbm>>
        %dma_start3A_87 = arith.constant 9360 : i32
        %dma_start3A_88 = arith.constant 0 : i32
        %dma_start3A_89 = tpu.memref_slice %dma_start3A_86[%dma_start3A_87, %dma_start3A_88] : memref<10000x128xf32, #tpu.memory_space<hbm>> -> memref<640x128xf32, #tpu.memory_space<hbm>>
        %dma_start3A_90 = arith.constant 9360 : i32
        %dma_start3A_91 = arith.constant 0 : i32
        %dma_start3A_92 = tpu.memref_slice %arg8[%dma_start3A_90, %dma_start3A_91] : memref<10000x128xf32, #tpu.memory_space<vmem_shared>> -> memref<640x128xf32, #tpu.memory_space<vmem_shared>>
        tpu.enqueue_dma source(%dma_start3A_92 : memref<640x128xf32, #tpu.memory_space<vmem_shared>>) target(%dma_start3A_89 : memref<640x128xf32, #tpu.memory_space<hbm>>) target_semaphore(%run_scoped3A : memref<!tpu.dma_semaphore, #tpu.memory_space<semaphore_mem>>)
        %dma_wait3A = arith.constant 0 : i32
        %dma_wait3A_93 = arith.constant 0 : i32
        %dma_wait3A_94 = tpu.memref_slice %arg5[%arg0, %dma_wait3A, %dma_wait3A_93] : memref<2x10000x128xf32, #tpu.memory_space<hbm>> -> memref<1x10000x128xf32, #tpu.memory_space<hbm>>
        %dma_wait3A_95 = tpu.memref_squeeze %dma_wait3A_94 : memref<1x10000x128xf32, #tpu.memory_space<hbm>> -> memref<10000x128xf32, #tpu.memory_space<hbm>>
        %dma_wait3A_96 = arith.constant 9360 : i32
        %dma_wait3A_97 = arith.constant 0 : i32
        %dma_wait3A_98 = tpu.memref_slice %dma_wait3A_95[%dma_wait3A_96, %dma_wait3A_97] : memref<10000x128xf32, #tpu.memory_space<hbm>> -> memref<640x128xf32, #tpu.memory_space<hbm>>
        %dma_wait3A_99 = arith.constant 9360 : i32
        %dma_wait3A_100 = arith.constant 0 : i32
        %dma_wait3A_101 = tpu.memref_slice %arg8[%dma_wait3A_99, %dma_wait3A_100] : memref<10000x128xf32, #tpu.memory_space<vmem_shared>> -> memref<640x128xf32, #tpu.memory_space<vmem_shared>>
        tpu.wait_dma2 semaphore(%run_scoped3A : memref<!tpu.dma_semaphore, #tpu.memory_space<semaphore_mem>>) src(%dma_wait3A_101 : memref<640x128xf32, #tpu.memory_space<vmem_shared>>) dst(%dma_wait3A_98 : memref<640x128xf32, #tpu.memory_space<hbm>>)
        tpu.yield
      }) : () -> ()
    } else {
    }
    return
  }
}

module attributes {stable_mosaic.version = 14 : i64} {
  func.func @_pre_body(%arg0: memref<10000x128xf32, #tpu.memory_space<vmem>>, %arg1: memref<128x128xf32, #tpu.memory_space<vmem>>, %arg2: memref<1x128xf32, #tpu.memory_space<vmem>>, %arg3: memref<128x128xf32, #tpu.memory_space<vmem>>, %arg4: memref<1x128xf32, #tpu.memory_space<vmem>>, %arg5: memref<10000x128xf32, #tpu.memory_space<vmem>>, %arg6: memref<10000x128xf32, #tpu.memory_space<vmem>>) attributes {dimension_semantics = [], scalar_prefetch = 0 : i64, scratch_operands = 0 : i64, tpu.core_type = #tpu.core_type<tc>} {
    %get3A = arith.constant 0 : index
    %get3A_0 = arith.constant 0 : index
    %get3A_1 = vector.load %arg0[%get3A, %get3A_0] : memref<10000x128xf32, #tpu.memory_space<vmem>>, vector<10000x128xf32>
    %get3A_2 = arith.constant 0 : index
    %get3A_3 = arith.constant 0 : index
    %get3A_4 = vector.load %arg1[%get3A_2, %get3A_3] : memref<128x128xf32, #tpu.memory_space<vmem>>, vector<128x128xf32>
    %dot_general3A = arith.constant dense<0.000000e+00> : vector<10000x128xf32>
    %dot_general3A_5 = tpu.matmul %get3A_1, %get3A_4, %dot_general3A {dimension_numbers = #tpu.dot_dimension_numbers<[1], [1], [0], [0], [0, 0, 1, 0], [], []>, transpose_lhs_hint = false} : vector<10000x128xf32>, vector<128x128xf32>, vector<10000x128xf32> -> vector<10000x128xf32>
    %get3A_6 = arith.constant 0 : index
    %get3A_7 = arith.constant 0 : index
    %get3A_8 = vector.load %arg2[%get3A_6, %get3A_7] : memref<1x128xf32, #tpu.memory_space<vmem>>, vector<1x128xf32>
    %add3A = vector.broadcast %get3A_8 : vector<1x128xf32> to vector<10000x128xf32>
    %add3A_9 = arith.addf %dot_general3A_5, %add3A : vector<10000x128xf32>
    %swap3A = arith.constant 0 : index
    %swap3A_10 = arith.constant 0 : index
    %swap3A_11 = vector.load %arg5[%swap3A, %swap3A_10] : memref<10000x128xf32, #tpu.memory_space<vmem>>, vector<10000x128xf32>
    tpu.vector_store %arg5[%swap3A, %swap3A_10], %add3A_9 {strides = array<i32>} : memref<10000x128xf32, #tpu.memory_space<vmem>>, vector<10000x128xf32>,
    %get3A_12 = arith.constant 0 : index
    %get3A_13 = arith.constant 0 : index
    %get3A_14 = vector.load %arg3[%get3A_12, %get3A_13] : memref<128x128xf32, #tpu.memory_space<vmem>>, vector<128x128xf32>
    %dot_general3A_15 = arith.constant dense<0.000000e+00> : vector<10000x128xf32>
    %dot_general3A_16 = tpu.matmul %get3A_1, %get3A_14, %dot_general3A_15 {dimension_numbers = #tpu.dot_dimension_numbers<[1], [1], [0], [0], [0, 0, 1, 0], [], []>, transpose_lhs_hint = false} : vector<10000x128xf32>, vector<128x128xf32>, vector<10000x128xf32> -> vector<10000x128xf32>
    %get3A_17 = arith.constant 0 : index
    %get3A_18 = arith.constant 0 : index
    %get3A_19 = vector.load %arg4[%get3A_17, %get3A_18] : memref<1x128xf32, #tpu.memory_space<vmem>>, vector<1x128xf32>
    %add3A_20 = vector.broadcast %get3A_19 : vector<1x128xf32> to vector<10000x128xf32>
    %add3A_21 = arith.addf %dot_general3A_16, %add3A_20 : vector<10000x128xf32>
    %iota3A = tpu.iota {dimensions = array<i32: 1>} : vector<10000x128xi32>
    %lt3A = arith.constant 2 : i32
    %lt3A_22 = vector.broadcast %lt3A : i32 to vector<10000x128xi32>
    %lt3A_23 = arith.cmpi slt, %iota3A, %lt3A_22 : vector<10000x128xi32>
    %jit3A = arith.constant 0.000000e+00 : f32
    %broadcast_in_dim3A = vector.broadcast %jit3A : f32 to vector<10000x128xf32>
    %select_n3A = arith.select %lt3A_23, %add3A_21, %broadcast_in_dim3A : vector<10000x128xi1>, vector<10000x128xf32>
    %mul3A = arith.mulf %select_n3A, %select_n3A : vector<10000x128xf32>
    %reduce_sum3A = arith.constant dense<0.000000e+00> : vector<10000xf32>
    %reduce_sum3A_24 = vector.multi_reduction <add>, %mul3A, %reduce_sum3A [1] : vector<10000x128xf32> to vector<10000xf32>
    %broadcast_in_dim3A_25 = vector.shape_cast %reduce_sum3A_24 : vector<10000xf32> to vector<10000x1xf32>
    %sub3A = arith.constant 1.000000e+00 : f32
    %sub3A_26 = vector.broadcast %sub3A : f32 to vector<10000x1xf32>
    %sub3A_27 = arith.subf %sub3A_26, %broadcast_in_dim3A_25 : vector<10000x1xf32>
    %abs3A = math.absf %sub3A_27 : vector<10000x1xf32>
    %max3A = arith.constant 9.99999971E-10 : f32
    %max3A_28 = vector.broadcast %max3A : f32 to vector<10000x1xf32>
    %max3A_29 = arith.maximumf %abs3A, %max3A_28 : vector<10000x1xf32>
    %sign3A = tpu.bitcast %sub3A_27 : vector<10000x1xf32> -> vector<10000x1xi32>
    %sign3A_30 = arith.constant -2147483648 : i32
    %sign3A_31 = vector.broadcast %sign3A_30 : i32 to vector<10000x1xi32>
    %sign3A_32 = arith.andi %sign3A, %sign3A_31 : vector<10000x1xi32>
    %sign3A_33 = arith.constant 1065353216 : i32
    %sign3A_34 = vector.broadcast %sign3A_33 : i32 to vector<10000x1xi32>
    %sign3A_35 = arith.ori %sign3A_34, %sign3A_32 : vector<10000x1xi32>
    %sign3A_36 = tpu.bitcast %sign3A_35 : vector<10000x1xi32> -> vector<10000x1xf32>
    %sign3A_37 = math.absf %sub3A_27 : vector<10000x1xf32>
    %sign3A_38 = arith.constant 0.000000e+00 : f32
    %sign3A_39 = vector.broadcast %sign3A_38 : f32 to vector<10000x1xf32>
    %sign3A_40 = arith.cmpf ogt, %sign3A_37, %sign3A_39 : vector<10000x1xf32>
    %sign3A_41 = arith.select %sign3A_40, %sign3A_36, %sub3A_27 : vector<10000x1xi1>, vector<10000x1xf32>
    %mul3A_42 = arith.mulf %max3A_29, %sign3A_41 : vector<10000x1xf32>
    %div3A = arith.divf %broadcast_in_dim3A_25, %mul3A_42 : vector<10000x1xf32>
    %add3A_43 = arith.constant 1.000000e+00 : f32
    %add3A_44 = vector.broadcast %add3A_43 : f32 to vector<10000x1xf32>
    %add3A_45 = arith.addf %div3A, %add3A_44 : vector<10000x1xf32>
    %div3A_46 = arith.constant 1.000000e+00 : f32
    %div3A_47 = vector.broadcast %div3A_46 : f32 to vector<10000x1xf32>
    %div3A_48 = arith.divf %div3A_47, %add3A_45 : vector<10000x1xf32>
    %mul3A_49 = vector.broadcast %div3A_48 : vector<10000x1xf32> to vector<10000x128xf32>
    %mul3A_50 = arith.mulf %add3A_21, %mul3A_49 : vector<10000x128xf32>
    %swap3A_51 = arith.constant 0 : index
    %swap3A_52 = arith.constant 0 : index
    %swap3A_53 = vector.load %arg6[%swap3A_51, %swap3A_52] : memref<10000x128xf32, #tpu.memory_space<vmem>>, vector<10000x128xf32>
    tpu.vector_store %arg6[%swap3A_51, %swap3A_52], %mul3A_50 {strides = array<i32>} : memref<10000x128xf32, #tpu.memory_space<vmem>>, vector<10000x128xf32>,
    return
  }
}

module attributes {stable_mosaic.version = 14 : i64} {
  func.func @_mid_body(%arg0: memref<2x10000x128xf32, #tpu.memory_space<vmem>>, %arg1: memref<1x128xf32, #tpu.memory_space<vmem>>, %arg2: memref<1x128xf32, #tpu.memory_space<vmem>>, %arg3: memref<128x128xf32, #tpu.memory_space<vmem>>, %arg4: memref<1x128xf32, #tpu.memory_space<vmem>>, %arg5: memref<128x128xf32, #tpu.memory_space<vmem>>, %arg6: memref<1x128xf32, #tpu.memory_space<vmem>>, %arg7: memref<10000x128xf32, #tpu.memory_space<vmem>>, %arg8: memref<10000x128xf32, #tpu.memory_space<vmem>>) attributes {dimension_semantics = [], scalar_prefetch = 0 : i64, scratch_operands = 0 : i64, tpu.core_type = #tpu.core_type<tc>} {
    %get3A = arith.constant 0 : index
    %get3A_0 = arith.constant 0 : index
    %get3A_1 = arith.constant 0 : index
    %get3A_2 = vector.load %arg0[%get3A, %get3A_0, %get3A_1] : memref<2x10000x128xf32, #tpu.memory_space<vmem>>, vector<1x10000x128xf32>
    %get3A_3 = vector.shape_cast %get3A_2 : vector<1x10000x128xf32> to vector<10000x128xf32>
    %get3A_4 = arith.constant 1 : index
    %get3A_5 = arith.constant 0 : index
    %get3A_6 = arith.constant 0 : index
    %get3A_7 = vector.load %arg0[%get3A_4, %get3A_5, %get3A_6] : memref<2x10000x128xf32, #tpu.memory_space<vmem>>, vector<1x10000x128xf32>
    %get3A_8 = vector.shape_cast %get3A_7 : vector<1x10000x128xf32> to vector<10000x128xf32>
    %add3A = arith.addf %get3A_3, %get3A_8 : vector<10000x128xf32>
    %get3A_9 = arith.constant 0 : index
    %get3A_10 = arith.constant 0 : index
    %get3A_11 = vector.load %arg1[%get3A_9, %get3A_10] : memref<1x128xf32, #tpu.memory_space<vmem>>, vector<1x128xf32>
    %mul3A = vector.broadcast %get3A_11 : vector<1x128xf32> to vector<10000x128xf32>
    %mul3A_12 = arith.mulf %add3A, %mul3A : vector<10000x128xf32>
    %get3A_13 = arith.constant 0 : index
    %get3A_14 = arith.constant 0 : index
    %get3A_15 = vector.load %arg2[%get3A_13, %get3A_14] : memref<1x128xf32, #tpu.memory_space<vmem>>, vector<1x128xf32>
    %add3A_16 = vector.broadcast %get3A_15 : vector<1x128xf32> to vector<10000x128xf32>
    %add3A_17 = arith.addf %mul3A_12, %add3A_16 : vector<10000x128xf32>
    %gt3A = arith.constant 0.000000e+00 : f32
    %gt3A_18 = vector.broadcast %gt3A : f32 to vector<10000x128xf32>
    %gt3A_19 = arith.cmpf ogt, %add3A_17, %gt3A_18 : vector<10000x128xf32>
    %exp3A = math.exp %add3A_17 : vector<10000x128xf32>
    %sub3A = arith.constant 1.000000e+00 : f32
    %sub3A_20 = vector.broadcast %sub3A : f32 to vector<10000x128xf32>
    %sub3A_21 = arith.subf %exp3A, %sub3A_20 : vector<10000x128xf32>
    %select_n3A = arith.select %gt3A_19, %add3A_17, %sub3A_21 : vector<10000x128xi1>, vector<10000x128xf32>
    %get3A_22 = arith.constant 0 : index
    %get3A_23 = arith.constant 0 : index
    %get3A_24 = vector.load %arg3[%get3A_22, %get3A_23] : memref<128x128xf32, #tpu.memory_space<vmem>>, vector<128x128xf32>
    %dot_general3A = arith.constant dense<0.000000e+00> : vector<10000x128xf32>
    %dot_general3A_25 = tpu.matmul %select_n3A, %get3A_24, %dot_general3A {dimension_numbers = #tpu.dot_dimension_numbers<[1], [1], [0], [0], [0, 0, 1, 0], [], []>, transpose_lhs_hint = false} : vector<10000x128xf32>, vector<128x128xf32>, vector<10000x128xf32> -> vector<10000x128xf32>
    %get3A_26 = arith.constant 0 : index
    %get3A_27 = arith.constant 0 : index
    %get3A_28 = vector.load %arg4[%get3A_26, %get3A_27] : memref<1x128xf32, #tpu.memory_space<vmem>>, vector<1x128xf32>
    %add3A_29 = vector.broadcast %get3A_28 : vector<1x128xf32> to vector<10000x128xf32>
    %add3A_30 = arith.addf %dot_general3A_25, %add3A_29 : vector<10000x128xf32>
    %swap3A = arith.constant 0 : index
    %swap3A_31 = arith.constant 0 : index
    %swap3A_32 = vector.load %arg7[%swap3A, %swap3A_31] : memref<10000x128xf32, #tpu.memory_space<vmem>>, vector<10000x128xf32>
    tpu.vector_store %arg7[%swap3A, %swap3A_31], %add3A_30 {strides = array<i32>} : memref<10000x128xf32, #tpu.memory_space<vmem>>, vector<10000x128xf32>,
    %get3A_33 = arith.constant 0 : index
    %get3A_34 = arith.constant 0 : index
    %get3A_35 = vector.load %arg5[%get3A_33, %get3A_34] : memref<128x128xf32, #tpu.memory_space<vmem>>, vector<128x128xf32>
    %dot_general3A_36 = arith.constant dense<0.000000e+00> : vector<10000x128xf32>
    %dot_general3A_37 = tpu.matmul %select_n3A, %get3A_35, %dot_general3A_36 {dimension_numbers = #tpu.dot_dimension_numbers<[1], [1], [0], [0], [0, 0, 1, 0], [], []>, transpose_lhs_hint = false} : vector<10000x128xf32>, vector<128x128xf32>, vector<10000x128xf32> -> vector<10000x128xf32>
    %get3A_38 = arith.constant 0 : index
    %get3A_39 = arith.constant 0 : index
    %get3A_40 = vector.load %arg6[%get3A_38, %get3A_39] : memref<1x128xf32, #tpu.memory_space<vmem>>, vector<1x128xf32>
    %add3A_41 = vector.broadcast %get3A_40 : vector<1x128xf32> to vector<10000x128xf32>
    %add3A_42 = arith.addf %dot_general3A_37, %add3A_41 : vector<10000x128xf32>
    %iota3A = tpu.iota {dimensions = array<i32: 1>} : vector<10000x128xi32>
    %lt3A = arith.constant 2 : i32
    %lt3A_43 = vector.broadcast %lt3A : i32 to vector<10000x128xi32>
    %lt3A_44 = arith.cmpi slt, %iota3A, %lt3A_43 : vector<10000x128xi32>
    %jit3A = arith.constant 0.000000e+00 : f32
    %broadcast_in_dim3A = vector.broadcast %jit3A : f32 to vector<10000x128xf32>
    %select_n3A_45 = arith.select %lt3A_44, %add3A_42, %broadcast_in_dim3A : vector<10000x128xi1>, vector<10000x128xf32>
    %mul3A_46 = arith.mulf %select_n3A_45, %select_n3A_45 : vector<10000x128xf32>
    %reduce_sum3A = arith.constant dense<0.000000e+00> : vector<10000xf32>
    %reduce_sum3A_47 = vector.multi_reduction <add>, %mul3A_46, %reduce_sum3A [1] : vector<10000x128xf32> to vector<10000xf32>
    %broadcast_in_dim3A_48 = vector.shape_cast %reduce_sum3A_47 : vector<10000xf32> to vector<10000x1xf32>
    %sub3A_49 = arith.constant 1.000000e+00 : f32
    %sub3A_50 = vector.broadcast %sub3A_49 : f32 to vector<10000x1xf32>
    %sub3A_51 = arith.subf %sub3A_50, %broadcast_in_dim3A_48 : vector<10000x1xf32>
    %abs3A = math.absf %sub3A_51 : vector<10000x1xf32>
    %max3A = arith.constant 9.99999971E-10 : f32
    %max3A_52 = vector.broadcast %max3A : f32 to vector<10000x1xf32>
    %max3A_53 = arith.maximumf %abs3A, %max3A_52 : vector<10000x1xf32>
    %sign3A = tpu.bitcast %sub3A_51 : vector<10000x1xf32> -> vector<10000x1xi32>
    %sign3A_54 = arith.constant -2147483648 : i32
    %sign3A_55 = vector.broadcast %sign3A_54 : i32 to vector<10000x1xi32>
    %sign3A_56 = arith.andi %sign3A, %sign3A_55 : vector<10000x1xi32>
    %sign3A_57 = arith.constant 1065353216 : i32
    %sign3A_58 = vector.broadcast %sign3A_57 : i32 to vector<10000x1xi32>
    %sign3A_59 = arith.ori %sign3A_58, %sign3A_56 : vector<10000x1xi32>
    %sign3A_60 = tpu.bitcast %sign3A_59 : vector<10000x1xi32> -> vector<10000x1xf32>
    %sign3A_61 = math.absf %sub3A_51 : vector<10000x1xf32>
    %sign3A_62 = arith.constant 0.000000e+00 : f32
    %sign3A_63 = vector.broadcast %sign3A_62 : f32 to vector<10000x1xf32>
    %sign3A_64 = arith.cmpf ogt, %sign3A_61, %sign3A_63 : vector<10000x1xf32>
    %sign3A_65 = arith.select %sign3A_64, %sign3A_60, %sub3A_51 : vector<10000x1xi1>, vector<10000x1xf32>
    %mul3A_66 = arith.mulf %max3A_53, %sign3A_65 : vector<10000x1xf32>
    %div3A = arith.divf %broadcast_in_dim3A_48, %mul3A_66 : vector<10000x1xf32>
    %add3A_67 = arith.constant 1.000000e+00 : f32
    %add3A_68 = vector.broadcast %add3A_67 : f32 to vector<10000x1xf32>
    %add3A_69 = arith.addf %div3A, %add3A_68 : vector<10000x1xf32>
    %div3A_70 = arith.constant 1.000000e+00 : f32
    %div3A_71 = vector.broadcast %div3A_70 : f32 to vector<10000x1xf32>
    %div3A_72 = arith.divf %div3A_71, %add3A_69 : vector<10000x1xf32>
    %mul3A_73 = vector.broadcast %div3A_72 : vector<10000x1xf32> to vector<10000x128xf32>
    %mul3A_74 = arith.mulf %add3A_42, %mul3A_73 : vector<10000x128xf32>
    %swap3A_75 = arith.constant 0 : index
    %swap3A_76 = arith.constant 0 : index
    %swap3A_77 = vector.load %arg8[%swap3A_75, %swap3A_76] : memref<10000x128xf32, #tpu.memory_space<vmem>>, vector<10000x128xf32>
    tpu.vector_store %arg8[%swap3A_75, %swap3A_76], %mul3A_74 {strides = array<i32>} : memref<10000x128xf32, #tpu.memory_space<vmem>>, vector<10000x128xf32>,
    return
  }
}

module attributes {stable_mosaic.version = 14 : i64} {
  func.func @_out_body(%arg0: memref<2x10000x128xf32, #tpu.memory_space<vmem>>, %arg1: memref<1x128xf32, #tpu.memory_space<vmem>>, %arg2: memref<1x128xf32, #tpu.memory_space<vmem>>, %arg3: memref<128x128xf32, #tpu.memory_space<vmem>>, %arg4: memref<1x128xf32, #tpu.memory_space<vmem>>, %arg5: memref<10000x128xf32, #tpu.memory_space<vmem>>) attributes {dimension_semantics = [], scalar_prefetch = 0 : i64, scratch_operands = 0 : i64, tpu.core_type = #tpu.core_type<tc>} {
    %get3A = arith.constant 0 : index
    %get3A_0 = arith.constant 0 : index
    %get3A_1 = arith.constant 0 : index
    %get3A_2 = vector.load %arg0[%get3A, %get3A_0, %get3A_1] : memref<2x10000x128xf32, #tpu.memory_space<vmem>>, vector<1x10000x128xf32>
    %get3A_3 = vector.shape_cast %get3A_2 : vector<1x10000x128xf32> to vector<10000x128xf32>
    %get3A_4 = arith.constant 1 : index
    %get3A_5 = arith.constant 0 : index
    %get3A_6 = arith.constant 0 : index
    %get3A_7 = vector.load %arg0[%get3A_4, %get3A_5, %get3A_6] : memref<2x10000x128xf32, #tpu.memory_space<vmem>>, vector<1x10000x128xf32>
    %get3A_8 = vector.shape_cast %get3A_7 : vector<1x10000x128xf32> to vector<10000x128xf32>
    %add3A = arith.addf %get3A_3, %get3A_8 : vector<10000x128xf32>
    %get3A_9 = arith.constant 0 : index
    %get3A_10 = arith.constant 0 : index
    %get3A_11 = vector.load %arg1[%get3A_9, %get3A_10] : memref<1x128xf32, #tpu.memory_space<vmem>>, vector<1x128xf32>
    %mul3A = vector.broadcast %get3A_11 : vector<1x128xf32> to vector<10000x128xf32>
    %mul3A_12 = arith.mulf %add3A, %mul3A : vector<10000x128xf32>
    %get3A_13 = arith.constant 0 : index
    %get3A_14 = arith.constant 0 : index
    %get3A_15 = vector.load %arg2[%get3A_13, %get3A_14] : memref<1x128xf32, #tpu.memory_space<vmem>>, vector<1x128xf32>
    %add3A_16 = vector.broadcast %get3A_15 : vector<1x128xf32> to vector<10000x128xf32>
    %add3A_17 = arith.addf %mul3A_12, %add3A_16 : vector<10000x128xf32>
    %gt3A = arith.constant 0.000000e+00 : f32
    %gt3A_18 = vector.broadcast %gt3A : f32 to vector<10000x128xf32>
    %gt3A_19 = arith.cmpf ogt, %add3A_17, %gt3A_18 : vector<10000x128xf32>
    %exp3A = math.exp %add3A_17 : vector<10000x128xf32>
    %sub3A = arith.constant 1.000000e+00 : f32
    %sub3A_20 = vector.broadcast %sub3A : f32 to vector<10000x128xf32>
    %sub3A_21 = arith.subf %exp3A, %sub3A_20 : vector<10000x128xf32>
    %select_n3A = arith.select %gt3A_19, %add3A_17, %sub3A_21 : vector<10000x128xi1>, vector<10000x128xf32>
    %get3A_22 = arith.constant 0 : index
    %get3A_23 = arith.constant 0 : index
    %get3A_24 = vector.load %arg3[%get3A_22, %get3A_23] : memref<128x128xf32, #tpu.memory_space<vmem>>, vector<128x128xf32>
    %dot_general3A = arith.constant dense<0.000000e+00> : vector<10000x128xf32>
    %dot_general3A_25 = tpu.matmul %select_n3A, %get3A_24, %dot_general3A {dimension_numbers = #tpu.dot_dimension_numbers<[1], [1], [0], [0], [0, 0, 1, 0], [], []>, transpose_lhs_hint = false} : vector<10000x128xf32>, vector<128x128xf32>, vector<10000x128xf32> -> vector<10000x128xf32>
    %get3A_26 = arith.constant 0 : index
    %get3A_27 = arith.constant 0 : index
    %get3A_28 = vector.load %arg4[%get3A_26, %get3A_27] : memref<1x128xf32, #tpu.memory_space<vmem>>, vector<1x128xf32>
    %add3A_29 = vector.broadcast %get3A_28 : vector<1x128xf32> to vector<10000x128xf32>
    %add3A_30 = arith.addf %dot_general3A_25, %add3A_29 : vector<10000x128xf32>
    %mul3A_31 = arith.mulf %add3A_30, %add3A_30 : vector<10000x128xf32>
    %reduce_sum3A = arith.constant dense<0.000000e+00> : vector<10000xf32>
    %reduce_sum3A_32 = vector.multi_reduction <add>, %mul3A_31, %reduce_sum3A [1] : vector<10000x128xf32> to vector<10000xf32>
    %broadcast_in_dim3A = vector.shape_cast %reduce_sum3A_32 : vector<10000xf32> to vector<10000x1xf32>
    %sqrt3A = math.sqrt %broadcast_in_dim3A : vector<10000x1xf32>
    %max3A = arith.constant 9.99999996E-13 : f32
    %max3A_33 = vector.broadcast %max3A : f32 to vector<10000x1xf32>
    %max3A_34 = arith.maximumf %sqrt3A, %max3A_33 : vector<10000x1xf32>
    %div3A = vector.broadcast %max3A_34 : vector<10000x1xf32> to vector<10000x128xf32>
    %div3A_35 = arith.divf %add3A_30, %div3A : vector<10000x128xf32>
    %swap3A = arith.constant 0 : index
    %swap3A_36 = arith.constant 0 : index
    %swap3A_37 = vector.load %arg5[%swap3A, %swap3A_36] : memref<10000x128xf32, #tpu.memory_space<vmem>>, vector<10000x128xf32>
    tpu.vector_store %arg5[%swap3A, %swap3A_36], %div3A_35 {strides = array<i32>} : memref<10000x128xf32, #tpu.memory_space<vmem>>, vector<10000x128xf32>,
    return
  }
}

</mosaic_0001>

<sc_bundles>
// kernel: kernel.10.cloned.1.call-start
scs
__scs_entry_jumppad:
0x0: {  	(pc) =	sbr.rel $0x88, $3  }
0x1: {  	(tag) =	ssettag $0x0;
	lr =	simm.s32 $0x1  }
0x2: {  	[smem:$0x3F91] =	sst lr;
	_ =	strace $0xD0000000  }
0x3: {  	_ = 	snop  }
0x4: {  	_ = 	snop  }
0x5: {  	_ = 	snop  }
0x6: {  	_ = 	snop  }
0x7: {  	_ = 	snop  }
__scs_overlays_trampoline_lowered:
0x8: {  	[smem:$0x3FA0] =	sst s0  }
0x9: {  	[smem:$0x3FA1] =	sst s1  }
0xa: {  	[smem:$0x3FA2] =	sst s2  }
0xb: {  	[smem:$0x3FA3] =	sst s3  }
0xc: {  	[smem:$0x3FA4] =	sst s4  }
0xd: {  	[smem:$0x3FA5] =	sst s5  }
0xe: {  	[smem:$0x3FA6] =	sst s6  }
0xf: {  	[smem:$0x3FA7] =	sst s7  }
0x10: {  	[smem:$0x3FA8] =	sst s8  }
0x11: {  	[smem:$0x3FA9] =	sst s9;
	s0 =	simm.s32 @!p0 $0x0  }
0x12: {  	s1 =	sld [smem:$0x3F8F];
	s0 =	simm.s32 @p0 $0x1  }
0x13: {  	[smem:$0x3FAA] =	sst s0;
	s0 =	simm.s32 @!p1 $0x0  }
0x14: {  	s2 =	sld [smem:$0x3F8E];
	s0 =	simm.s32 @p1 $0x1  }
0x15: {  	[smem:$0x3FAB] =	sst s0;
	s0 =	simm.s32 @!p2 $0x0  }
0x16: {  	s3 =	sld [smem:$0x3FDB];
	s0 =	simm.s32 @p2 $0x1  }
0x17: {  	s4 =	simm.s32 $0x1BF5;
	[smem:$0x3FAD] =	sst s0  }
0x18: {  	s0 =	sld [smem:$0x3F90];
	_ =	swait.ge [sflag:s4], $0x0  }
0x19: {  	s7 =	sld [smem:$0x3F91]  }
0x1a: {  	s8 =	sadd.s32 $0xFFFFE003, lr  }
0x1b: {  	s9 =	sadd.s32 $0xFFFFFEF7, lr;
	s5 =	simm.s32 $0xFFFFFFFF;
	p2 =	slt.u32 s8, $0xFFFFF086  }
0x1c: {  	p1 =	slt.u32 s9, $0xF7A;
	s5 =	simm.s32 @!p2 $0x0  }
0x1d: {  	s5 =	simm.s32 @p1 $0x1;
	p0 =	seq.s32 s7, s2  }
0x1e: {  	s7 =	smul.u32 @!p0 $0xF7A, s2;
	p2 =	seq.s32 @!p0 s5, $0x0  }
0x1f: {  	s9 =	smul.u32 $0xF7A, s1;
	s8 =	simm.s32 @!p0 $0x1BF5;
	p2 =	por !p2, p0  }
0x20: {  	[sflag:s8] =	ssyncset.s32 @!p0 $0xFFFFF086;
	s6 =	sadd.s32 @!p0 s3, s7;
	s7 =	simm.s32 @!p0 $0x108  }
0x21: {  	s3 =	sadd.s32 s3, s9;
	s6 =	sadd.s32 @!p0 $0x88, s6;
	s7 =	simm.s32 @p2 $0x1082  }
0x22: {  	[simem:s7], [sflag:s8] =	dma.local @!p0 [hbm:s6], $0xF7A  }
0x23: {  	s9 =	sor.u32 $0xD0000000, s2;
	s6 =	simm.s32 $0x108;
	_ =	swait.ge @!p0 [sflag:s8], $0x0  }
0x24: {  	s3 =	sadd.s32 $0x88, s3;
	s6 =	simm.s32 @!p1 $0x1082;
	[sflag:s4] =	ssyncset.s32 $0xFFFFF086  }
0x25: {  	[simem:s6], [sflag:s4] =	dma.local [hbm:s3], $0xF7A  }
0x26: {  	[smem:$0x3F91] =	sst s1;
	(tag) =	ssettag s2;
	_ =	strace s9  }
0x27: {  	s1 =	sld [smem:$0x3FA1]  }
0x28: {  	s2 =	sld [smem:$0x3FA2]  }
0x29: {  	s4 =	sld [smem:$0x3FA4]  }
0x2a: {  	p0 =	seq.s32 s5, $0x0;
	s5 =	sld [smem:$0x3FA5]  }
0x2b: {  	s6 =	sld [smem:$0x3FA6]  }
0x2c: {  	s7 =	sld [smem:$0x3FA7]  }
0x2d: {  	s3 =	simm.s32 $0x108;
	s8 =	sld [smem:$0x3FA8]  }
0x2e: {  	s3 =	simm.s32 @!p0 $0x1082;
	s9 =	sld [smem:$0x3FA9]  }
0x2f: {  	lr =	sadd.s32 s0, s3;
	s0 =	sld [smem:$0x3FA0]  }
0x30: {  	s3 =	sld [smem:$0x3FA3]  }
0x31: {  	[smem:$0x3FAC] =	sst s10  }
0x32: {  	s10 =	sld [smem:$0x3FAA];
	_ =	sdelay $0x3  }
0x33: {  	p0 =	seq.s32 s10, $0x1;
	s10 =	sld [smem:$0x3FAC];
	_ =	sdelay $0x3  }
0x34: {  	[smem:$0x3FAC] =	sst s10  }
0x35: {  	s10 =	sld [smem:$0x3FAB];
	_ =	sdelay $0x3  }
0x36: {  	p1 =	seq.s32 s10, $0x1;
	s10 =	sld [smem:$0x3FAC];
	_ =	sdelay $0x3  }
0x37: {  	[smem:$0x3FAC] =	sst s10  }
0x38: {  	s10 =	sld [smem:$0x3FAD]  }
0x39: {  	_ = 	snop;
	(pc) =	sbr.ind lr, $3  }
0x3a: {  	_ = 	snop  }
0x3b: {  	_ = 	snop  }
0x3c: {  	p2 =	seq.s32 s10, $0x1;
	s10 =	sld [smem:$0x3FAC]  }
0x3d: {  	_ =	shalt  }
0x3e: {  	_ =	shalt  }
0x3f: {  	_ =	shalt  }
0x40: {  	_ =	shalt  }
0x41: {  	_ =	shalt  }
0x42: {  	_ =	shalt  }
0x43: {  	_ =	shalt  }
0x44: {  	_ =	shalt  }
0x45: {  	_ =	shalt  }
0x46: {  	_ =	shalt  }
0x47: {  	_ =	shalt  }
0x48: {  	_ =	shalt  }
0x49: {  	_ =	shalt  }
0x4a: {  	_ =	shalt  }
0x4b: {  	_ =	shalt  }
0x4c: {  	_ =	shalt  }
0x4d: {  	_ =	shalt  }
0x4e: {  	_ =	shalt  }
0x4f: {  	_ =	shalt  }
0x50: {  	_ =	shalt  }
0x51: {  	_ =	shalt  }
0x52: {  	_ =	shalt  }
0x53: {  	_ =	shalt  }
0x54: {  	_ =	shalt  }
0x55: {  	_ =	shalt  }
0x56: {  	_ =	shalt  }
0x57: {  	_ =	shalt  }
0x58: {  	_ =	shalt  }
0x59: {  	_ =	shalt  }
0x5a: {  	_ =	shalt  }
0x5b: {  	_ =	shalt  }
0x5c: {  	_ =	shalt  }
0x5d: {  	_ =	shalt  }
0x5e: {  	_ =	shalt  }
0x5f: {  	_ =	shalt  }
0x60: {  	_ =	shalt  }
0x61: {  	_ =	shalt  }
0x62: {  	_ =	shalt  }
0x63: {  	_ =	shalt  }
0x64: {  	_ =	shalt  }
0x65: {  	_ =	shalt  }
0x66: {  	_ =	shalt  }
0x67: {  	_ =	shalt  }
0x68: {  	_ =	shalt  }
0x69: {  	_ =	shalt  }
0x6a: {  	_ =	shalt  }
0x6b: {  	_ =	shalt  }
0x6c: {  	_ =	shalt  }
0x6d: {  	_ =	shalt  }
0x6e: {  	_ =	shalt  }
0x6f: {  	_ =	shalt  }
0x70: {  	_ =	shalt  }
0x71: {  	_ =	shalt  }
0x72: {  	_ =	shalt  }
0x73: {  	_ =	shalt  }
0x74: {  	_ =	shalt  }
0x75: {  	_ =	shalt  }
0x76: {  	_ =	shalt  }
0x77: {  	_ =	shalt  }
0x78: {  	_ =	shalt  }
0x79: {  	_ =	shalt  }
0x7a: {  	_ =	shalt  }
0x7b: {  	_ =	shalt  }
0x7c: {  	_ =	shalt  }
0x7d: {  	_ =	shalt  }
0x7e: {  	_ =	shalt  }
0x7f: {  	_ =	shalt  }
0x80: {  	_ =	shalt  }
0x81: {  	_ =	shalt  }
0x82: {  	_ =	shalt  }
0x83: {  	_ =	shalt  }
0x84: {  	_ =	shalt  }
0x85: {  	_ =	shalt  }
0x86: {  	_ =	shalt  }
0x87: {  	_ =	shalt  }
.Lfunc_end0:
.L_simem_size_0:
called_computation.1_lowered:
.L_overlay_start_0:
0x88: {  	s2 =	sld [smem:$0x3FD9]  }
0x89: {  	s3 =	sld [smem:$0x3FFE];
	_ =	sdelay $0x1  }
0x8a: {  	s1 =	srdreg.scid  }
0x8b: {  	s0 =	sand.u32 $0x1, s1  }
0x8c: {  	s17 =	sshll.u32 s0, $0xA;
	s2 =	sadd.s32 s3, s2  }
0x8d: {  	s2 =	sadd.s32 s2, s17  }
0x8e: {  	[smem:$0x3FB8] =	sst s2  }
0x8f: {  	_ = 	snop  }
0x90: {  	s2 =	sld [smem:$0x3FD0];
	(tm) =	ssettm $0x1  }
0x91: {  	s18 =	sld [smem:$0x3FFB];
	_ =	sdelay $0x3  }
0x92: {  	_ =	strace s18  }
0x93: {  	s3 =	sld [smem:$0x3FFC];
	_ =	sdelay $0x3  }
0x94: {  	_ =	strace s3  }
0x95: {  	s3 =	sld [smem:$0x3FFD];
	_ =	sdelay $0x3  }
0x96: {  	_ =	strace s3  }
0x97: {  	_ =	strace $0x8FFFFFFF  }
0x98: {  	s19 =	sld [smem:$0x3FDB];
	_ =	sdelay $0x1  }
0x99: {  	s4 =	simm.s32 $_scs_section_size  }
0x9a: {  	s5 =	simm.s32 $_size__tile_overlayer_lowered;
	s6 =	simm.s32 $_tile_overlayer_lowered  }
0x9b: {  	s22 =	simm.s32 $0x1BFF;
	s21 =	sshll.u32 s6, $0x1;
	s3 =	sadd.s32 s4, s19  }
0x9c: {  	s7 =	simm.s32 $0x0;
	s20 =	sshll.u32 s5, $0x1;
	s5 =	sadd.s32 s21, s3  }
0x9d: {  	[timem:s7], [sflag:s22] =	dma.local [hbm:s5], s20  }
0x9e: {  	_ =	swait.ge [sflag:s22], s20  }
0x9f: {  	s4 =	ssub.s32 $0x0, s20;
	[sflag:s22] =	ssyncset.done $0x0  }
0xa0: {  	[sflag:s22] =	ssyncadd.s32 s4;
	_ =	sdelay $0x1  }
0xa1: {  	s23 =	simm.s32 $0x1B8B  }
0xa2: {  	_ =	swait.ge [sflag:s23], $0x1  }
0xa3: {  	[sflag:s23] =	ssyncset.done $0x0  }
0xa4: {  	s25 =	simm.s32 $0x1B8E;
	s24 =	sld [smem:$0x3FFE];
	[sflag:s23] =	ssyncadd.s32 $0xFFFFFFFF  }
0xa5: {  	s26 =	simm.s32 $execute0_lowered;
	[smem:$0x3FD2] =	sst s25  }
0xa6: {  	s5 =	sshll.u32 s26, $0x1;
	_ =	strace $0x80000049;
	[dreg:$0x1] =	wrdreg $0xFFFFFFFF  }
0xa7: {  	s28 =	simm.s32 $_size_execute0_lowered;
	s3 =	sadd.s32 s3, s5;
	[dreg:$0x0] =	wrdreg $0x0  }
0xa8: {  	s5 =	sshll.u32 s28, $0x1;
	[dreg:$0x2] =	wrdreg s3  }
0xa9: {  	[dreg:$0x3] =	wrdreg s5  }
0xaa: {  	[dreg:$0x4] =	wrdreg $0xC0  }
0xab: {  	_ =	task [dreg:s7], $0x5FFFF  }
0xac: {  	[dreg:$0x1] =	wrdreg $0xFFFFFFFF  }
0xad: {  	[dreg:$0x0] =	wrdreg $0x60  }
0xae: {  	[dreg:$0x2] =	wrdreg s2  }
0xaf: {  	[dreg:$0x3] =	wrdreg s24  }
0xb0: {  	[dreg:$0x4] =	wrdreg $0x6A000  }
0xb1: {  	[dreg:$0x5] =	wrdreg $0x9  }
0xb2: {  	_ =	task.clear_ibuf [dreg:s7], $0x6FFFF;
	_ =	strace $0x90000049  }
0xb3: {  	s29 =	simm.s32 $0x9;
	_ =	strace $0x8000004B  }
0xb4: {  	_ =	swait.ge [sflag:s29], $0x1  }
0xb5: {  	[sflag:s29] =	ssyncadd.s32 $0xFFFFFFFF  }
0xb6: {  	_ =	strace $0x9000004B  }
0xb7: {  	_ =	sfence  }
0xb8: {  	s30 =	sld [smem:$0x0];
	_ =	sdelay $0x2  }
0xb9: {  	s31 =	sshll.u32 s1, $0xD;
	s1 =	sshrl.u32 s1, $0x2  }
0xba: {  	s3 =	sand.u32 $0x4000, s31;
	s1 =	sadd.s32 s1, s30  }
0xbb: {  	s0 =	sor.u32 s3, s0;
	s1 =	sshll.u32 s1, $0x11  }
0xbc: {  	s0 =	sor.u32 s1, s0  }
0xbd: {  	s0 =	sadd.s32 $0x8F2B, s0  }
0xbe: {  	[sflag:s0] =	ssyncadd.remote.s32 $0x1  }
0xbf: {  	_ =	sfence.sel $0xFFFF  }
0xc0: {  	[dreg:$0x0] =	wrdreg $0xFFFFFFFF;
	(pc) =	sbr.abs _section_cstart, $3  }
0xc1: {  	[dreg:$0x1] =	wrdreg $0xFFFFFFFF  }
0xc2: {  	_ =	task.clear_ibuf [dreg:s7], $0x2FFFF;
	_ =	strace $0x9FFFFFFF  }
0xc3: {  	(tm) =	ssettm $0x7FFFFFFF  }
tec
execute0_lowered:
.L_overlay_start_1:
0x0: {  	(tag) =	ssettag $0x1  }
0x1: {  	s1 =	rddreg [dreg:$0x0]  }
0x2: {  	s11 =	stileid.u32;
	s2 =	rddreg [dreg:$0x1]  }
0x3: {  	s0 =	srdreg.scid;
	s3 =	rddreg [dreg:$0x2];
	s5 =	simm.s32 $0x0  }
0x4: {  	s28 =	simm.s32 $0x3600;
	s29 =	simm.s32 $0x3;
	s30 =	simm.s32 $0x80  }
0x5: {  	s31 =	simm.s32 $0x4;
	s0 =	sand.u32 $0x1, s0;
	s12 =	smul.u32 $0x2700, s11  }
0x6: {  	s4 =	sshll.u32 s11, $0x1;
	[smem:$0x7FF] =	sst s5;
	s8 =	smul.u32 $0x4E000, s11  }
0x7: {  	s24 =	sadd.s32 $0x24900, s1;
	s26 =	sadd.s32 $0x40F00, s2;
	s4 =	sor.u32 s0, s4  }
0x8: {  	s6 =	smul.u32 $0x27100, s0;
	_ =	strace $0x8000004A;
	[dreg:$0x6] =	wrdreg s24  }
0x9: {  	s7 =	ssub.s32 $0x2, s0;
	p3 =	seq.s32 s0, $0x1;
	[dreg:$0x8] =	wrdreg s26  }
0xa: {  	s24 =	simm.s32 $0x64;
	s26 =	simm.s32 $0x2;
	s4 =	smul.u32 $0xC80, s4  }
0xb: {  	s9 =	sadd.s32 s12, s2;
	s10 =	sshrl.u32 s7, $0x1;
	s22 =	sshrl.u32 s8, $0x2  }
0xc: {  	[dreg:$0x4] =	wrdreg s12;
	s23 =	sadd.s32 s1, s12;
	s8 =	sadd.s32 $0x124800, s3  }
0xd: {  	p1 =	seq.s32 @p3 s11, $0xF;
	p4 =	seq.s32 @!p3 s11, $0xF;
	s13 =	sadd.s32 s6, s2  }
0xe: {  	s7 =	ssub.s32 s7, s10;
	s6 =	sadd.s32 s22, s3;
	[dreg:$0x5] =	wrdreg s23  }
0xf: {  	s25 =	sadd.s32 $0x1C600, s9;
	p0 =	por p1, !p3;
	p1 =	por !p1, !p3  }
0x10: {  	p2 =	por p4, p3;
	p3 =	por !p4, p3;
	s22 =	simm.s32 $0x100  }
0x11: {  	s23 =	simm.s32 $0x1;
	p4 =	seq.s32 s11, $0xF;
	s4 =	sadd.s32 s4, s2  }
0x12: {  	[dreg:$0x7] =	wrdreg s25;
	s13 =	sadd.s32 $0x43800, s13;
	s14 =	smax.u32 s7, $0x1  }
0x13: {  	s0 =	sshll.u32 @!p0 s11, $0x6;
	s15 =	sshrl.u32 @!p1 s8, $0x3;
	s17 =	sshrl.u32 @!p0 s6, $0x3  }
0x14: {  	s18 =	sshrl.u32 @!p3 s8, $0x3;
	s20 =	sshrl.u32 @!p2 s6, $0x3;
	s25 =	simm.s32 $0x200  }
0x15: {  	s2 =	simm.s32 $0x180;
	s7 =	simm.s32 $0x0;
	s12 =	sadd.s32 $0x3600, s4  }
0x16: {  	s16 =	sor.u32 @!p0 $0x1C07, s0;
	s0 =	sshll.u32 @!p2 s11, $0x6;
	s4 =	simm.s32 $0x6  }
0x17: {  	s19 =	sor.u32 @!p2 $0x1C07, s0;
	s21 =	sadd.s32 $0x20, s12;
	s0 =	simm.s32 $0x5  }
.LBB2_1:
0x18: {  	s9 =	simm.s32 @!p1 $0x1FC7;
	s10 =	rddreg [dreg:$0x8]  }
0x19: {  	[spmem:s15], [sflag:s9] =	dma.local @!p1 [hbm:s10], $0x2800  }
0x1a: {  	s9 =	simm.s32 @!p1 $0x7  }
0x1b: {  	_ =	swait.ge @!p1 [sflag:s9], $0x2800  }
0x1c: {  	[sflag:s9] =	ssyncset.done @!p1 $0x0  }
0x1d: {  	[sflag:s9] =	ssyncadd.s32 @!p1 $0xFFFFD800;
	s9 =	rddreg [dreg:$0x7]  }
0x1e: {  	[spmem:s17], [sflag:s16] =	dma.local @!p0 [hbm:s9], $0x2700  }
0x1f: {  	s9 =	simm.s32 @!p0 $0x7  }
0x20: {  	_ =	swait.ge @!p0 [sflag:s9], $0x2700  }
0x21: {  	[sflag:s9] =	ssyncset.done @!p0 $0x0  }
0x22: {  	s10 =	rddreg [dreg:$0x6];
	[sflag:s9] =	ssyncadd.s32 @!p0 $0xFFFFD900;
	s9 =	simm.s32 @!p3 $0x1FC7  }
0x23: {  	[spmem:s18], [sflag:s9] =	dma.local @!p3 [hbm:s10], $0x2800  }
0x24: {  	s9 =	simm.s32 @!p3 $0x7  }
0x25: {  	_ =	swait.ge @!p3 [sflag:s9], $0x2800  }
0x26: {  	[sflag:s9] =	ssyncset.done @!p3 $0x0  }
0x27: {  	[sflag:s9] =	ssyncadd.s32 @!p3 $0xFFFFD800;
	s9 =	rddreg [dreg:$0x5]  }
0x28: {  	[spmem:s20], [sflag:s19] =	dma.local @!p2 [hbm:s9], $0x2700  }
0x29: {  	s9 =	simm.s32 @!p2 $0x7  }
0x2a: {  	_ =	swait.ge @!p2 [sflag:s9], $0x2700  }
0x2b: {  	[sflag:s9] =	ssyncset.done @!p2 $0x0  }
0x2c: {  	[sflag:s9] =	ssyncadd.s32 @!p2 $0xFFFFD900  }
0x2d: {  	[tilespmem:s5], [sflag:$0x1] =	stream.linear.gather [hbm4b:s12+s5], $0x100, $0x38;
	[tilespmem:$0x1A280] =	vst v63  }
0x2e: {  	_ = 	snop  }
0x2f: {  	[tilespmem:s22], [sflag:$0x2] =	stream.linear.gather [hbm4b:s21+s5], $0x100, $0x38;
	[tilespmem:$0x1A280] =	vst v63  }
0x30: {  	[bflag:$0x0] =	sbarrier.arrive $0xFFFF  }
0x31: {  	_ =	swait.ge [sflag:s23], $0x100  }
0x32: {  	[sflag:s23] =	ssyncset.done $0x0  }
0x33: {  	[sflag:s23] =	ssyncadd.s32 $0xFFFFFF00  }
0x34: {  	[tilespmem:s25], [sflag:$0x3] =	stream.indirect.gather [hbm4b:s1+s24], $0x80, s5, s24, $0xb8;
	[tilespmem:$0x1A280] =	vst v63  }
0x35: {  	_ =	swait.ge [sflag:s26], $0x100  }
0x36: {  	[sflag:s26] =	ssyncset.done $0x0  }
0x37: {  	[sflag:s26] =	ssyncadd.s32 $0xFFFFFF00  }
0x38: {  	[tilespmem:s28], [sflag:$0x4] =	stream.indirect.gather [hbm4b:s1+s24], $0x80, s22, s24, $0xb8;
	[tilespmem:$0x1A280] =	vst v63  }
0x39: {  	_ =	swait.ge [sflag:s29], $0x3200  }
0x3a: {  	[sflag:s29] =	ssyncset.done $0x0  }
0x3b: {  	[sflag:s29] =	ssyncadd.s32 $0xFFFFCE00  }
0x3c: {  	[spmem:s3] =	stream.indirect.scatter.add.f32 [tilespmem:s25], [sflag:$0x5], $0x80, s30, s24, $0xb8;
	[tilespmem:$0x1A280] =	vst v63  }
0x3d: {  	_ =	swait.ge [sflag:s31], $0x3200  }
0x3e: {  	[sflag:s31] =	ssyncset.done $0x0  }
0x3f: {  	[sflag:s31] =	ssyncadd.s32 $0xFFFFCE00  }
0x40: {  	[spmem:s3] =	stream.indirect.scatter.add.f32 [tilespmem:s28], [sflag:$0x6], $0x80, s2, s24, $0xb8;
	[tilespmem:$0x1A280] =	vst v63  }
0x41: {  	_ =	swait.ge [sflag:s0], $0x3200  }
0x42: {  	s10 =	sadd.s32 $0xFFFFF3C0, s12;
	[sflag:s0] =	ssyncset.done $0x0  }
0x43: {  	s11 =	sadd.s32 $0xC80, s10;
	[sflag:s0] =	ssyncadd.s32 $0xFFFFCE00  }
0x44: {  	[tilespmem:s5], [sflag:$0x1] =	stream.linear.gather [hbm4b:s11+s5], $0x100, $0x38;
	[tilespmem:$0x1A280] =	vst v63  }
0x45: {  	_ =	swait.ge [sflag:s4], $0x3200  }
0x46: {  	[sflag:s4] =	ssyncset.done $0x0  }
0x47: {  	s10 =	sadd.s32 $0xCA0, s10;
	s9 =	simm.s32 $0xFFFFF400;
	[sflag:s4] =	ssyncadd.s32 $0xFFFFCE00  }
.LBB2_2:
0x48: {  	[tilespmem:s22], [sflag:$0x2] =	stream.linear.gather [hbm4b:s10+s5], $0x100, $0x38;
	[tilespmem:$0x1A280] =	vst v63  }
0x49: {  	s10 =	smov.u32 s9  }
0x4a: {  	p5 =	sne.s32 s9, $0xFFFFFFC0;
	s9 =	sadd.s32 $0x40, s9;
	_ =	swait.ge [sflag:s23], $0x100  }
0x4b: {  	[sflag:s23] =	ssyncset.done $0x0  }
0x4c: {  	[sflag:s23] =	ssyncadd.s32 $0xFFFFFF00  }
0x4d: {  	[tilespmem:s25], [sflag:$0x3] =	stream.indirect.gather [hbm4b:s1+s24], $0x80, s5, s24, $0xb8;
	[tilespmem:$0x1A280] =	vst v63  }
0x4e: {  	_ =	swait.ge [sflag:s26], $0x100  }
0x4f: {  	[sflag:s26] =	ssyncset.done $0x0  }
0x50: {  	[sflag:s26] =	ssyncadd.s32 $0xFFFFFF00  }
0x51: {  	[tilespmem:s28], [sflag:$0x4] =	stream.indirect.gather [hbm4b:s1+s24], $0x80, s22, s24, $0xb8;
	[tilespmem:$0x1A280] =	vst v63  }
0x52: {  	_ =	swait.ge [sflag:s29], $0x3200  }
0x53: {  	[sflag:s29] =	ssyncset.done $0x0  }
0x54: {  	[sflag:s29] =	ssyncadd.s32 $0xFFFFCE00  }
0x55: {  	[spmem:s3] =	stream.indirect.scatter.add.f32 [tilespmem:s25], [sflag:$0x5], $0x80, s30, s24, $0xb8;
	[tilespmem:$0x1A280] =	vst v63  }
0x56: {  	_ =	swait.ge [sflag:s31], $0x3200  }
0x57: {  	[sflag:s31] =	ssyncset.done $0x0  }
0x58: {  	[sflag:s31] =	ssyncadd.s32 $0xFFFFCE00  }
0x59: {  	[spmem:s3] =	stream.indirect.scatter.add.f32 [tilespmem:s28], [sflag:$0x6], $0x80, s2, s24, $0xb8;
	[tilespmem:$0x1A280] =	vst v63  }
0x5a: {  	_ =	swait.ge [sflag:s0], $0x3200  }
0x5b: {  	s10 =	sadd.s32 s10, s12;
	[sflag:s0] =	ssyncset.done $0x0  }
.Ltmp0:
0x5c: {  	s11 =	sadd.s32 $0xC80, s10;
	[sflag:s0] =	ssyncadd.s32 $0xFFFFCE00;
	(pc) =	sbr.rel @p5 .LBB2_2-.Ltmp0, $4  }
0x5d: {  	[tilespmem:s5], [sflag:$0x1] =	stream.linear.gather [hbm4b:s11+s5], $0x100, $0x38;
	[tilespmem:$0x1A280] =	vst v63  }
0x5e: {  	_ =	swait.ge [sflag:s4], $0x3200  }
0x5f: {  	[sflag:s4] =	ssyncset.done $0x0  }
0x60: {  	s10 =	sadd.s32 $0xCA0, s10;
	[sflag:s4] =	ssyncadd.s32 $0xFFFFCE00  }
0x61: {  	[tilespmem:s22], [sflag:$0x2] =	stream.linear.gather [hbm4b:s10+s5], $0x100, $0x38;
	[tilespmem:$0x1A280] =	vst v63  }
0x62: {  	_ =	swait.ge [sflag:s23], $0x100  }
0x63: {  	[sflag:s23] =	ssyncset.done $0x0  }
0x64: {  	[sflag:s23] =	ssyncadd.s32 $0xFFFFFF00  }
0x65: {  	[tilespmem:s25], [sflag:$0x3] =	stream.indirect.gather [hbm4b:s1+s24], $0x80, s5, s24, $0xb8;
	[tilespmem:$0x1A280] =	vst v63  }
0x66: {  	_ =	swait.ge [sflag:s26], $0x100  }
0x67: {  	[sflag:s26] =	ssyncset.done $0x0  }
0x68: {  	[sflag:s26] =	ssyncadd.s32 $0xFFFFFF00  }
0x69: {  	[tilespmem:s28], [sflag:$0x4] =	stream.indirect.gather [hbm4b:s1+s24], $0x80, s22, s24, $0xb8;
	[tilespmem:$0x1A280] =	vst v63  }
0x6a: {  	_ =	swait.ge [sflag:s29], $0x3200  }
0x6b: {  	[sflag:s29] =	ssyncset.done $0x0  }
0x6c: {  	[sflag:s29] =	ssyncadd.s32 $0xFFFFCE00  }
0x6d: {  	[spmem:s3] =	stream.indirect.scatter.add.f32 [tilespmem:s25], [sflag:$0x5], $0x80, s30, s24, $0xb8;
	[tilespmem:$0x1A280] =	vst v63  }
0x6e: {  	_ =	swait.ge [sflag:s31], $0x3200  }
0x6f: {  	[sflag:s31] =	ssyncset.done $0x0  }
0x70: {  	[sflag:s31] =	ssyncadd.s32 $0xFFFFCE00  }
0x71: {  	[spmem:s3] =	stream.indirect.scatter.add.f32 [tilespmem:s28], [sflag:$0x6], $0x80, s2, s24, $0xb8;
	[tilespmem:$0x1A280] =	vst v63  }
0x72: {  	_ =	swait.ge [sflag:s0], $0x3200  }
0x73: {  	[sflag:s0] =	ssyncset.done $0x0  }
0x74: {  	[sflag:s0] =	ssyncadd.s32 $0xFFFFCE00  }
0x75: {  	_ =	swait.ge [sflag:s4], $0x3200  }
0x76: {  	[sflag:s4] =	ssyncset.done $0x0  }
0x77: {  	s9 =	sadd.s32 @p4 $0x24900, s13;
	[sflag:s4] =	ssyncadd.s32 $0xFFFFCE00  }
0x78: {  	s10 =	sshrl.u32 @p4 s8, $0x3;
	s11 =	simm.s32 @p4 $0x1FC7;
	[bflag:$0x0] =	sbarrier.arrive $0xFFFF  }
0x79: {  	[hbm:s9], [sflag:s11] =	dma.local @p4 [spmem:s10], $0x2800  }
0x7a: {  	s9 =	simm.s32 @p4 $0x7  }
0x7b: {  	_ =	swait.ge @p4 [sflag:s9], $0x2800  }
0x7c: {  	[sflag:s9] =	ssyncset.done @p4 $0x0  }
0x7d: {  	s7 =	sadd.s32 $0x1, s7;
	[sflag:s9] =	ssyncadd.s32 @p4 $0xFFFFD800;
	s9 =	stileid.u32  }
0x7e: {  	p5 =	sne.s32 s7, s14;
	s10 =	rddreg [dreg:$0x4];
	s9 =	sshll.u32 @!p4 s9, $0x6  }
0x7f: {  	s11 =	sshrl.u32 @!p4 s6, $0x3;
	s10 =	sadd.s32 @!p4 s10, s13;
	s9 =	sor.u32 @!p4 $0x1C07, s9  }
0x80: {  	[hbm:s10], [sflag:s9] =	dma.local @!p4 [spmem:s11], $0x2700  }
.Ltmp1:
0x81: {  	_ = 	snop;
	(pc) =	sbr.rel @p5 .LBB2_1-.Ltmp1, $4  }
0x82: {  	s9 =	simm.s32 @!p4 $0x7  }
0x83: {  	_ =	swait.ge @!p4 [sflag:s9], $0x2700  }
0x84: {  	[sflag:s9] =	ssyncset.done @!p4 $0x0  }
0x85: {  	[sflag:s9] =	ssyncadd.s32 @!p4 $0xFFFFD900  }
0x86: {  	_ =	sfence.sel $0x180000  }
0x87: {  	[bflag:$0x0] =	sbarrier.arrive $0xFFFF  }
0x88: {  	_ =	strace $0x9000004A  }
0x89: {  	s0 =	stileid.u32;
	[bflag:$0x2] =	sbarrier.arrive $0xFFFF  }
0x8a: {  	p0 =	sne.s32 s0, $0x0;
	s0 =	rddreg [dreg:$0x3]  }
0x8b: {  	s0 =	sadd.s32 @!p0 $0x100000, s0  }
0x8c: {  	[sflag:s0] =	ssyncadd.tile.s32 @!p0 $0x1;
	_ =	shalt  }
.Lfunc_end2:
_tile_overlayer_lowered:
.L_overlay_start_2:
0x8d: {  	(tag) =	ssettag $0x2  }
0x8e: {  	s0 =	rddreg [dreg:$0x0];
	s2 =	stileid.u32  }
0x8f: {  	s1 =	rddreg [dreg:$0x1];
	p0 =	sne.s32 s2, $0x0  }
0x90: {  	s3 =	rddreg [dreg:$0x2];
	[bflag:$0x3] =	sbarrier.arrive $0xFFFF;
	s2 =	simm.s32 @!p0 $0x1C07  }
0x91: {  	[timem:s3], [sflag:s2] =	dma.local @!p0 [hbm:s0], s1  }
0x92: {  	s0 =	simm.s32 @!p0 $0x7  }
0x93: {  	_ =	swait.ge @!p0 [sflag:s0], s1  }
0x94: {  	s1 =	ssub.s32 @!p0 $0x0, s1;
	[sflag:s0] =	ssyncset.done @!p0 $0x0  }
0x95: {  	[sflag:s0] =	ssyncadd.s32 @!p0 s1  }
0x96: {  	[bflag:$0x3] =	sbarrier.arrive $0xFFFF  }
0x97: {  	_ =	shalt  }

// kernel: kernel.7.cloned.1.call-start
scs
__scs_entry_jumppad:
0x0: {  	(pc) =	sbr.rel $0x88, $3  }
0x1: {  	(tag) =	ssettag $0x0;
	lr =	simm.s32 $0x1  }
0x2: {  	[smem:$0x3F91] =	sst lr;
	_ =	strace $0xD0000000  }
0x3: {  	_ = 	snop  }
0x4: {  	_ = 	snop  }
0x5: {  	_ = 	snop  }
0x6: {  	_ = 	snop  }
0x7: {  	_ = 	snop  }
__scs_overlays_trampoline_lowered:
0x8: {  	[smem:$0x3FA0] =	sst s0  }
0x9: {  	[smem:$0x3FA1] =	sst s1  }
0xa: {  	[smem:$0x3FA2] =	sst s2  }
0xb: {  	[smem:$0x3FA3] =	sst s3  }
0xc: {  	[smem:$0x3FA4] =	sst s4  }
0xd: {  	[smem:$0x3FA5] =	sst s5  }
0xe: {  	[smem:$0x3FA6] =	sst s6  }
0xf: {  	[smem:$0x3FA7] =	sst s7  }
0x10: {  	[smem:$0x3FA8] =	sst s8  }
0x11: {  	[smem:$0x3FA9] =	sst s9;
	s0 =	simm.s32 @!p0 $0x0  }
0x12: {  	s1 =	sld [smem:$0x3F8F];
	s0 =	simm.s32 @p0 $0x1  }
0x13: {  	[smem:$0x3FAA] =	sst s0;
	s0 =	simm.s32 @!p1 $0x0  }
0x14: {  	s2 =	sld [smem:$0x3F8E];
	s0 =	simm.s32 @p1 $0x1  }
0x15: {  	[smem:$0x3FAB] =	sst s0;
	s0 =	simm.s32 @!p2 $0x0  }
0x16: {  	s3 =	sld [smem:$0x3FDB];
	s0 =	simm.s32 @p2 $0x1  }
0x17: {  	s4 =	simm.s32 $0x1BF5;
	[smem:$0x3FAD] =	sst s0  }
0x18: {  	s0 =	sld [smem:$0x3F90];
	_ =	swait.ge [sflag:s4], $0x0  }
0x19: {  	s7 =	sld [smem:$0x3F91]  }
0x1a: {  	s8 =	sadd.s32 $0xFFFFE003, lr  }
0x1b: {  	s9 =	sadd.s32 $0xFFFFFEF7, lr;
	s5 =	simm.s32 $0xFFFFFFFF;
	p2 =	slt.u32 s8, $0xFFFFF086  }
0x1c: {  	p1 =	slt.u32 s9, $0xF7A;
	s5 =	simm.s32 @!p2 $0x0  }
0x1d: {  	s5 =	simm.s32 @p1 $0x1;
	p0 =	seq.s32 s7, s2  }
0x1e: {  	s7 =	smul.u32 @!p0 $0xF7A, s2;
	p2 =	seq.s32 @!p0 s5, $0x0  }
0x1f: {  	s9 =	smul.u32 $0xF7A, s1;
	s8 =	simm.s32 @!p0 $0x1BF5;
	p2 =	por !p2, p0  }
0x20: {  	[sflag:s8] =	ssyncset.s32 @!p0 $0xFFFFF086;
	s6 =	sadd.s32 @!p0 s3, s7;
	s7 =	simm.s32 @!p0 $0x108  }
0x21: {  	s3 =	sadd.s32 s3, s9;
	s6 =	sadd.s32 @!p0 $0x88, s6;
	s7 =	simm.s32 @p2 $0x1082  }
0x22: {  	[simem:s7], [sflag:s8] =	dma.local @!p0 [hbm:s6], $0xF7A  }
0x23: {  	s9 =	sor.u32 $0xD0000000, s2;
	s6 =	simm.s32 $0x108;
	_ =	swait.ge @!p0 [sflag:s8], $0x0  }
0x24: {  	s3 =	sadd.s32 $0x88, s3;
	s6 =	simm.s32 @!p1 $0x1082;
	[sflag:s4] =	ssyncset.s32 $0xFFFFF086  }
0x25: {  	[simem:s6], [sflag:s4] =	dma.local [hbm:s3], $0xF7A  }
0x26: {  	[smem:$0x3F91] =	sst s1;
	(tag) =	ssettag s2;
	_ =	strace s9  }
0x27: {  	s1 =	sld [smem:$0x3FA1]  }
0x28: {  	s2 =	sld [smem:$0x3FA2]  }
0x29: {  	s4 =	sld [smem:$0x3FA4]  }
0x2a: {  	p0 =	seq.s32 s5, $0x0;
	s5 =	sld [smem:$0x3FA5]  }
0x2b: {  	s6 =	sld [smem:$0x3FA6]  }
0x2c: {  	s7 =	sld [smem:$0x3FA7]  }
0x2d: {  	s3 =	simm.s32 $0x108;
	s8 =	sld [smem:$0x3FA8]  }
0x2e: {  	s3 =	simm.s32 @!p0 $0x1082;
	s9 =	sld [smem:$0x3FA9]  }
0x2f: {  	lr =	sadd.s32 s0, s3;
	s0 =	sld [smem:$0x3FA0]  }
0x30: {  	s3 =	sld [smem:$0x3FA3]  }
0x31: {  	[smem:$0x3FAC] =	sst s10  }
0x32: {  	s10 =	sld [smem:$0x3FAA];
	_ =	sdelay $0x3  }
0x33: {  	p0 =	seq.s32 s10, $0x1;
	s10 =	sld [smem:$0x3FAC];
	_ =	sdelay $0x3  }
0x34: {  	[smem:$0x3FAC] =	sst s10  }
0x35: {  	s10 =	sld [smem:$0x3FAB];
	_ =	sdelay $0x3  }
0x36: {  	p1 =	seq.s32 s10, $0x1;
	s10 =	sld [smem:$0x3FAC];
	_ =	sdelay $0x3  }
0x37: {  	[smem:$0x3FAC] =	sst s10  }
0x38: {  	s10 =	sld [smem:$0x3FAD]  }
0x39: {  	_ = 	snop;
	(pc) =	sbr.ind lr, $3  }
0x3a: {  	_ = 	snop  }
0x3b: {  	_ = 	snop  }
0x3c: {  	p2 =	seq.s32 s10, $0x1;
	s10 =	sld [smem:$0x3FAC]  }
0x3d: {  	_ =	shalt  }
0x3e: {  	_ =	shalt  }
0x3f: {  	_ =	shalt  }
0x40: {  	_ =	shalt  }
0x41: {  	_ =	shalt  }
0x42: {  	_ =	shalt  }
0x43: {  	_ =	shalt  }
0x44: {  	_ =	shalt  }
0x45: {  	_ =	shalt  }
0x46: {  	_ =	shalt  }
0x47: {  	_ =	shalt  }
0x48: {  	_ =	shalt  }
0x49: {  	_ =	shalt  }
0x4a: {  	_ =	shalt  }
0x4b: {  	_ =	shalt  }
0x4c: {  	_ =	shalt  }
0x4d: {  	_ =	shalt  }
0x4e: {  	_ =	shalt  }
0x4f: {  	_ =	shalt  }
0x50: {  	_ =	shalt  }
0x51: {  	_ =	shalt  }
0x52: {  	_ =	shalt  }
0x53: {  	_ =	shalt  }
0x54: {  	_ =	shalt  }
0x55: {  	_ =	shalt  }
0x56: {  	_ =	shalt  }
0x57: {  	_ =	shalt  }
0x58: {  	_ =	shalt  }
0x59: {  	_ =	shalt  }
0x5a: {  	_ =	shalt  }
0x5b: {  	_ =	shalt  }
0x5c: {  	_ =	shalt  }
0x5d: {  	_ =	shalt  }
0x5e: {  	_ =	shalt  }
0x5f: {  	_ =	shalt  }
0x60: {  	_ =	shalt  }
0x61: {  	_ =	shalt  }
0x62: {  	_ =	shalt  }
0x63: {  	_ =	shalt  }
0x64: {  	_ =	shalt  }
0x65: {  	_ =	shalt  }
0x66: {  	_ =	shalt  }
0x67: {  	_ =	shalt  }
0x68: {  	_ =	shalt  }
0x69: {  	_ =	shalt  }
0x6a: {  	_ =	shalt  }
0x6b: {  	_ =	shalt  }
0x6c: {  	_ =	shalt  }
0x6d: {  	_ =	shalt  }
0x6e: {  	_ =	shalt  }
0x6f: {  	_ =	shalt  }
0x70: {  	_ =	shalt  }
0x71: {  	_ =	shalt  }
0x72: {  	_ =	shalt  }
0x73: {  	_ =	shalt  }
0x74: {  	_ =	shalt  }
0x75: {  	_ =	shalt  }
0x76: {  	_ =	shalt  }
0x77: {  	_ =	shalt  }
0x78: {  	_ =	shalt  }
0x79: {  	_ =	shalt  }
0x7a: {  	_ =	shalt  }
0x7b: {  	_ =	shalt  }
0x7c: {  	_ =	shalt  }
0x7d: {  	_ =	shalt  }
0x7e: {  	_ =	shalt  }
0x7f: {  	_ =	shalt  }
0x80: {  	_ =	shalt  }
0x81: {  	_ =	shalt  }
0x82: {  	_ =	shalt  }
0x83: {  	_ =	shalt  }
0x84: {  	_ =	shalt  }
0x85: {  	_ =	shalt  }
0x86: {  	_ =	shalt  }
0x87: {  	_ =	shalt  }
.Lfunc_end0:
.L_simem_size_0:
called_computation_lowered:
.L_overlay_start_0:
0x88: {  	s2 =	sld [smem:$0x3FD9]  }
0x89: {  	s3 =	sld [smem:$0x3FFE];
	_ =	sdelay $0x1  }
0x8a: {  	s1 =	srdreg.scid  }
0x8b: {  	s0 =	sand.u32 $0x1, s1  }
0x8c: {  	s17 =	sshll.u32 s0, $0xA;
	s2 =	sadd.s32 s3, s2  }
0x8d: {  	s2 =	sadd.s32 s2, s17  }
0x8e: {  	[smem:$0x3FB8] =	sst s2  }
0x8f: {  	_ = 	snop  }
0x90: {  	s2 =	sld [smem:$0x3FD0];
	(tm) =	ssettm $0x1  }
0x91: {  	s18 =	sld [smem:$0x3FFB];
	_ =	sdelay $0x3  }
0x92: {  	_ =	strace s18  }
0x93: {  	s3 =	sld [smem:$0x3FFC];
	_ =	sdelay $0x3  }
0x94: {  	_ =	strace s3  }
0x95: {  	s3 =	sld [smem:$0x3FFD];
	_ =	sdelay $0x3  }
0x96: {  	_ =	strace s3  }
0x97: {  	_ =	strace $0x8FFFFFFF  }
0x98: {  	s19 =	sld [smem:$0x3FDB];
	_ =	sdelay $0x1  }
0x99: {  	s4 =	simm.s32 $_scs_section_size  }
0x9a: {  	s5 =	simm.s32 $_size__tile_overlayer_lowered;
	s6 =	simm.s32 $_tile_overlayer_lowered  }
0x9b: {  	s22 =	simm.s32 $0x1BFF;
	s21 =	sshll.u32 s6, $0x1;
	s3 =	sadd.s32 s4, s19  }
0x9c: {  	s7 =	simm.s32 $0x0;
	s20 =	sshll.u32 s5, $0x1;
	s5 =	sadd.s32 s21, s3  }
0x9d: {  	[timem:s7], [sflag:s22] =	dma.local [hbm:s5], s20  }
0x9e: {  	_ =	swait.ge [sflag:s22], s20  }
0x9f: {  	s4 =	ssub.s32 $0x0, s20;
	[sflag:s22] =	ssyncset.done $0x0  }
0xa0: {  	[sflag:s22] =	ssyncadd.s32 s4;
	_ =	sdelay $0x1  }
0xa1: {  	s23 =	simm.s32 $0x1B8B  }
0xa2: {  	_ =	swait.ge [sflag:s23], $0x1  }
0xa3: {  	[sflag:s23] =	ssyncset.done $0x0  }
0xa4: {  	s25 =	simm.s32 $0x1B8E;
	s24 =	sld [smem:$0x3FFE];
	[sflag:s23] =	ssyncadd.s32 $0xFFFFFFFF  }
0xa5: {  	s26 =	simm.s32 $execute0_lowered;
	[smem:$0x3FD2] =	sst s25  }
0xa6: {  	s5 =	sshll.u32 s26, $0x1;
	_ =	strace $0x80000046;
	[dreg:$0x1] =	wrdreg $0xFFFFFFFF  }
0xa7: {  	s28 =	simm.s32 $_size_execute0_lowered;
	s3 =	sadd.s32 s3, s5;
	[dreg:$0x0] =	wrdreg $0x0  }
0xa8: {  	s5 =	sshll.u32 s28, $0x1;
	[dreg:$0x2] =	wrdreg s3  }
0xa9: {  	[dreg:$0x3] =	wrdreg s5  }
0xaa: {  	[dreg:$0x4] =	wrdreg $0xC0  }
0xab: {  	_ =	task [dreg:s7], $0x5FFFF  }
0xac: {  	[dreg:$0x1] =	wrdreg $0xFFFFFFFF  }
0xad: {  	[dreg:$0x0] =	wrdreg $0x60  }
0xae: {  	[dreg:$0x2] =	wrdreg s2  }
0xaf: {  	[dreg:$0x3] =	wrdreg s24  }
0xb0: {  	[dreg:$0x4] =	wrdreg $0x6A000  }
0xb1: {  	[dreg:$0x5] =	wrdreg $0x9  }
0xb2: {  	_ =	task.clear_ibuf [dreg:s7], $0x6FFFF;
	_ =	strace $0x90000046  }
0xb3: {  	s29 =	simm.s32 $0x9;
	_ =	strace $0x80000048  }
0xb4: {  	_ =	swait.ge [sflag:s29], $0x1  }
0xb5: {  	[sflag:s29] =	ssyncadd.s32 $0xFFFFFFFF  }
0xb6: {  	_ =	strace $0x90000048  }
0xb7: {  	_ =	sfence  }
0xb8: {  	s30 =	sld [smem:$0x0];
	_ =	sdelay $0x2  }
0xb9: {  	s31 =	sshll.u32 s1, $0xD;
	s1 =	sshrl.u32 s1, $0x2  }
0xba: {  	s3 =	sand.u32 $0x4000, s31;
	s1 =	sadd.s32 s1, s30  }
0xbb: {  	s0 =	sor.u32 s3, s0;
	s1 =	sshll.u32 s1, $0x11  }
0xbc: {  	s0 =	sor.u32 s1, s0  }
0xbd: {  	s0 =	sadd.s32 $0x8F2B, s0  }
0xbe: {  	[sflag:s0] =	ssyncadd.remote.s32 $0x1  }
0xbf: {  	_ =	sfence.sel $0xFFFF  }
0xc0: {  	[dreg:$0x0] =	wrdreg $0xFFFFFFFF;
	(pc) =	sbr.abs _section_cstart, $3  }
0xc1: {  	[dreg:$0x1] =	wrdreg $0xFFFFFFFF  }
0xc2: {  	_ =	task.clear_ibuf [dreg:s7], $0x2FFFF;
	_ =	strace $0x9FFFFFFF  }
0xc3: {  	(tm) =	ssettm $0x7FFFFFFF  }
tec
execute0_lowered:
.L_overlay_start_1:
0x0: {  	(tag) =	ssettag $0x1  }
0x1: {  	s1 =	rddreg [dreg:$0x0]  }
0x2: {  	s11 =	stileid.u32;
	s2 =	rddreg [dreg:$0x1]  }
0x3: {  	s0 =	srdreg.scid;
	s3 =	rddreg [dreg:$0x2];
	s5 =	simm.s32 $0x0  }
0x4: {  	s28 =	simm.s32 $0x3600;
	s29 =	simm.s32 $0x3;
	s30 =	simm.s32 $0x80  }
0x5: {  	s31 =	simm.s32 $0x4;
	s0 =	sand.u32 $0x1, s0;
	s12 =	smul.u32 $0x2700, s11  }
0x6: {  	s4 =	sshll.u32 s11, $0x1;
	[smem:$0x7FF] =	sst s5;
	s8 =	smul.u32 $0x4E000, s11  }
0x7: {  	s24 =	sadd.s32 $0x24900, s1;
	s26 =	sadd.s32 $0x40F00, s2;
	s4 =	sor.u32 s0, s4  }
0x8: {  	s6 =	smul.u32 $0x27100, s0;
	_ =	strace $0x80000047;
	[dreg:$0x6] =	wrdreg s24  }
0x9: {  	s7 =	ssub.s32 $0x2, s0;
	p3 =	seq.s32 s0, $0x1;
	[dreg:$0x8] =	wrdreg s26  }
0xa: {  	s24 =	simm.s32 $0x64;
	s26 =	simm.s32 $0x2;
	s4 =	smul.u32 $0xC80, s4  }
0xb: {  	s9 =	sadd.s32 s12, s2;
	s10 =	sshrl.u32 s7, $0x1;
	s22 =	sshrl.u32 s8, $0x2  }
0xc: {  	[dreg:$0x4] =	wrdreg s12;
	s23 =	sadd.s32 s1, s12;
	s8 =	sadd.s32 $0x124800, s3  }
0xd: {  	p1 =	seq.s32 @p3 s11, $0xF;
	p4 =	seq.s32 @!p3 s11, $0xF;
	s13 =	sadd.s32 s6, s2  }
0xe: {  	s7 =	ssub.s32 s7, s10;
	s6 =	sadd.s32 s22, s3;
	[dreg:$0x5] =	wrdreg s23  }
0xf: {  	s25 =	sadd.s32 $0x1C600, s9;
	p0 =	por p1, !p3;
	p1 =	por !p1, !p3  }
0x10: {  	p2 =	por p4, p3;
	p3 =	por !p4, p3;
	s22 =	simm.s32 $0x100  }
0x11: {  	s23 =	simm.s32 $0x1;
	p4 =	seq.s32 s11, $0xF;
	s4 =	sadd.s32 s4, s2  }
0x12: {  	[dreg:$0x7] =	wrdreg s25;
	s13 =	sadd.s32 $0x43800, s13;
	s14 =	smax.u32 s7, $0x1  }
0x13: {  	s0 =	sshll.u32 @!p0 s11, $0x6;
	s15 =	sshrl.u32 @!p1 s8, $0x3;
	s17 =	sshrl.u32 @!p0 s6, $0x3  }
0x14: {  	s18 =	sshrl.u32 @!p3 s8, $0x3;
	s20 =	sshrl.u32 @!p2 s6, $0x3;
	s25 =	simm.s32 $0x200  }
0x15: {  	s2 =	simm.s32 $0x180;
	s7 =	simm.s32 $0x0;
	s12 =	sadd.s32 $0x3600, s4  }
0x16: {  	s16 =	sor.u32 @!p0 $0x1C07, s0;
	s0 =	sshll.u32 @!p2 s11, $0x6;
	s4 =	simm.s32 $0x6  }
0x17: {  	s19 =	sor.u32 @!p2 $0x1C07, s0;
	s21 =	sadd.s32 $0x20, s12;
	s0 =	simm.s32 $0x5  }
.LBB2_1:
0x18: {  	s9 =	simm.s32 @!p1 $0x1FC7;
	s10 =	rddreg [dreg:$0x8]  }
0x19: {  	[spmem:s15], [sflag:s9] =	dma.local @!p1 [hbm:s10], $0x2800  }
0x1a: {  	s9 =	simm.s32 @!p1 $0x7  }
0x1b: {  	_ =	swait.ge @!p1 [sflag:s9], $0x2800  }
0x1c: {  	[sflag:s9] =	ssyncset.done @!p1 $0x0  }
0x1d: {  	[sflag:s9] =	ssyncadd.s32 @!p1 $0xFFFFD800;
	s9 =	rddreg [dreg:$0x7]  }
0x1e: {  	[spmem:s17], [sflag:s16] =	dma.local @!p0 [hbm:s9], $0x2700  }
0x1f: {  	s9 =	simm.s32 @!p0 $0x7  }
0x20: {  	_ =	swait.ge @!p0 [sflag:s9], $0x2700  }
0x21: {  	[sflag:s9] =	ssyncset.done @!p0 $0x0  }
0x22: {  	s10 =	rddreg [dreg:$0x6];
	[sflag:s9] =	ssyncadd.s32 @!p0 $0xFFFFD900;
	s9 =	simm.s32 @!p3 $0x1FC7  }
0x23: {  	[spmem:s18], [sflag:s9] =	dma.local @!p3 [hbm:s10], $0x2800  }
0x24: {  	s9 =	simm.s32 @!p3 $0x7  }
0x25: {  	_ =	swait.ge @!p3 [sflag:s9], $0x2800  }
0x26: {  	[sflag:s9] =	ssyncset.done @!p3 $0x0  }
0x27: {  	[sflag:s9] =	ssyncadd.s32 @!p3 $0xFFFFD800;
	s9 =	rddreg [dreg:$0x5]  }
0x28: {  	[spmem:s20], [sflag:s19] =	dma.local @!p2 [hbm:s9], $0x2700  }
0x29: {  	s9 =	simm.s32 @!p2 $0x7  }
0x2a: {  	_ =	swait.ge @!p2 [sflag:s9], $0x2700  }
0x2b: {  	[sflag:s9] =	ssyncset.done @!p2 $0x0  }
0x2c: {  	[sflag:s9] =	ssyncadd.s32 @!p2 $0xFFFFD900  }
0x2d: {  	[tilespmem:s5], [sflag:$0x1] =	stream.linear.gather [hbm4b:s12+s5], $0x100, $0x38;
	[tilespmem:$0x1A280] =	vst v63  }
0x2e: {  	_ = 	snop  }
0x2f: {  	[tilespmem:s22], [sflag:$0x2] =	stream.linear.gather [hbm4b:s21+s5], $0x100, $0x38;
	[tilespmem:$0x1A280] =	vst v63  }
0x30: {  	[bflag:$0x0] =	sbarrier.arrive $0xFFFF  }
0x31: {  	_ =	swait.ge [sflag:s23], $0x100  }
0x32: {  	[sflag:s23] =	ssyncset.done $0x0  }
0x33: {  	[sflag:s23] =	ssyncadd.s32 $0xFFFFFF00  }
0x34: {  	[tilespmem:s25], [sflag:$0x3] =	stream.indirect.gather [hbm4b:s1+s24], $0x80, s5, s24, $0xb8;
	[tilespmem:$0x1A280] =	vst v63  }
0x35: {  	_ =	swait.ge [sflag:s26], $0x100  }
0x36: {  	[sflag:s26] =	ssyncset.done $0x0  }
0x37: {  	[sflag:s26] =	ssyncadd.s32 $0xFFFFFF00  }
0x38: {  	[tilespmem:s28], [sflag:$0x4] =	stream.indirect.gather [hbm4b:s1+s24], $0x80, s22, s24, $0xb8;
	[tilespmem:$0x1A280] =	vst v63  }
0x39: {  	_ =	swait.ge [sflag:s29], $0x3200  }
0x3a: {  	[sflag:s29] =	ssyncset.done $0x0  }
0x3b: {  	[sflag:s29] =	ssyncadd.s32 $0xFFFFCE00  }
0x3c: {  	[spmem:s3] =	stream.indirect.scatter.add.f32 [tilespmem:s25], [sflag:$0x5], $0x80, s30, s24, $0xb8;
	[tilespmem:$0x1A280] =	vst v63  }
0x3d: {  	_ =	swait.ge [sflag:s31], $0x3200  }
0x3e: {  	[sflag:s31] =	ssyncset.done $0x0  }
0x3f: {  	[sflag:s31] =	ssyncadd.s32 $0xFFFFCE00  }
0x40: {  	[spmem:s3] =	stream.indirect.scatter.add.f32 [tilespmem:s28], [sflag:$0x6], $0x80, s2, s24, $0xb8;
	[tilespmem:$0x1A280] =	vst v63  }
0x41: {  	_ =	swait.ge [sflag:s0], $0x3200  }
0x42: {  	s10 =	sadd.s32 $0xFFFFF3C0, s12;
	[sflag:s0] =	ssyncset.done $0x0  }
0x43: {  	s11 =	sadd.s32 $0xC80, s10;
	[sflag:s0] =	ssyncadd.s32 $0xFFFFCE00  }
0x44: {  	[tilespmem:s5], [sflag:$0x1] =	stream.linear.gather [hbm4b:s11+s5], $0x100, $0x38;
	[tilespmem:$0x1A280] =	vst v63  }
0x45: {  	_ =	swait.ge [sflag:s4], $0x3200  }
0x46: {  	[sflag:s4] =	ssyncset.done $0x0  }
0x47: {  	s10 =	sadd.s32 $0xCA0, s10;
	s9 =	simm.s32 $0xFFFFF400;
	[sflag:s4] =	ssyncadd.s32 $0xFFFFCE00  }
.LBB2_2:
0x48: {  	[tilespmem:s22], [sflag:$0x2] =	stream.linear.gather [hbm4b:s10+s5], $0x100, $0x38;
	[tilespmem:$0x1A280] =	vst v63  }
0x49: {  	s10 =	smov.u32 s9  }
0x4a: {  	p5 =	sne.s32 s9, $0xFFFFFFC0;
	s9 =	sadd.s32 $0x40, s9;
	_ =	swait.ge [sflag:s23], $0x100  }
0x4b: {  	[sflag:s23] =	ssyncset.done $0x0  }
0x4c: {  	[sflag:s23] =	ssyncadd.s32 $0xFFFFFF00  }
0x4d: {  	[tilespmem:s25], [sflag:$0x3] =	stream.indirect.gather [hbm4b:s1+s24], $0x80, s5, s24, $0xb8;
	[tilespmem:$0x1A280] =	vst v63  }
0x4e: {  	_ =	swait.ge [sflag:s26], $0x100  }
0x4f: {  	[sflag:s26] =	ssyncset.done $0x0  }
0x50: {  	[sflag:s26] =	ssyncadd.s32 $0xFFFFFF00  }
0x51: {  	[tilespmem:s28], [sflag:$0x4] =	stream.indirect.gather [hbm4b:s1+s24], $0x80, s22, s24, $0xb8;
	[tilespmem:$0x1A280] =	vst v63  }
0x52: {  	_ =	swait.ge [sflag:s29], $0x3200  }
0x53: {  	[sflag:s29] =	ssyncset.done $0x0  }
0x54: {  	[sflag:s29] =	ssyncadd.s32 $0xFFFFCE00  }
0x55: {  	[spmem:s3] =	stream.indirect.scatter.add.f32 [tilespmem:s25], [sflag:$0x5], $0x80, s30, s24, $0xb8;
	[tilespmem:$0x1A280] =	vst v63  }
0x56: {  	_ =	swait.ge [sflag:s31], $0x3200  }
0x57: {  	[sflag:s31] =	ssyncset.done $0x0  }
0x58: {  	[sflag:s31] =	ssyncadd.s32 $0xFFFFCE00  }
0x59: {  	[spmem:s3] =	stream.indirect.scatter.add.f32 [tilespmem:s28], [sflag:$0x6], $0x80, s2, s24, $0xb8;
	[tilespmem:$0x1A280] =	vst v63  }
0x5a: {  	_ =	swait.ge [sflag:s0], $0x3200  }
0x5b: {  	s10 =	sadd.s32 s10, s12;
	[sflag:s0] =	ssyncset.done $0x0  }
.Ltmp0:
0x5c: {  	s11 =	sadd.s32 $0xC80, s10;
	[sflag:s0] =	ssyncadd.s32 $0xFFFFCE00;
	(pc) =	sbr.rel @p5 .LBB2_2-.Ltmp0, $4  }
0x5d: {  	[tilespmem:s5], [sflag:$0x1] =	stream.linear.gather [hbm4b:s11+s5], $0x100, $0x38;
	[tilespmem:$0x1A280] =	vst v63  }
0x5e: {  	_ =	swait.ge [sflag:s4], $0x3200  }
0x5f: {  	[sflag:s4] =	ssyncset.done $0x0  }
0x60: {  	s10 =	sadd.s32 $0xCA0, s10;
	[sflag:s4] =	ssyncadd.s32 $0xFFFFCE00  }
0x61: {  	[tilespmem:s22], [sflag:$0x2] =	stream.linear.gather [hbm4b:s10+s5], $0x100, $0x38;
	[tilespmem:$0x1A280] =	vst v63  }
0x62: {  	_ =	swait.ge [sflag:s23], $0x100  }
0x63: {  	[sflag:s23] =	ssyncset.done $0x0  }
0x64: {  	[sflag:s23] =	ssyncadd.s32 $0xFFFFFF00  }
0x65: {  	[tilespmem:s25], [sflag:$0x3] =	stream.indirect.gather [hbm4b:s1+s24], $0x80, s5, s24, $0xb8;
	[tilespmem:$0x1A280] =	vst v63  }
0x66: {  	_ =	swait.ge [sflag:s26], $0x100  }
0x67: {  	[sflag:s26] =	ssyncset.done $0x0  }
0x68: {  	[sflag:s26] =	ssyncadd.s32 $0xFFFFFF00  }
0x69: {  	[tilespmem:s28], [sflag:$0x4] =	stream.indirect.gather [hbm4b:s1+s24], $0x80, s22, s24, $0xb8;
	[tilespmem:$0x1A280] =	vst v63  }
0x6a: {  	_ =	swait.ge [sflag:s29], $0x3200  }
0x6b: {  	[sflag:s29] =	ssyncset.done $0x0  }
0x6c: {  	[sflag:s29] =	ssyncadd.s32 $0xFFFFCE00  }
0x6d: {  	[spmem:s3] =	stream.indirect.scatter.add.f32 [tilespmem:s25], [sflag:$0x5], $0x80, s30, s24, $0xb8;
	[tilespmem:$0x1A280] =	vst v63  }
0x6e: {  	_ =	swait.ge [sflag:s31], $0x3200  }
0x6f: {  	[sflag:s31] =	ssyncset.done $0x0  }
0x70: {  	[sflag:s31] =	ssyncadd.s32 $0xFFFFCE00  }
0x71: {  	[spmem:s3] =	stream.indirect.scatter.add.f32 [tilespmem:s28], [sflag:$0x6], $0x80, s2, s24, $0xb8;
	[tilespmem:$0x1A280] =	vst v63  }
0x72: {  	_ =	swait.ge [sflag:s0], $0x3200  }
0x73: {  	[sflag:s0] =	ssyncset.done $0x0  }
0x74: {  	[sflag:s0] =	ssyncadd.s32 $0xFFFFCE00  }
0x75: {  	_ =	swait.ge [sflag:s4], $0x3200  }
0x76: {  	[sflag:s4] =	ssyncset.done $0x0  }
0x77: {  	s9 =	sadd.s32 @p4 $0x24900, s13;
	[sflag:s4] =	ssyncadd.s32 $0xFFFFCE00  }
0x78: {  	s10 =	sshrl.u32 @p4 s8, $0x3;
	s11 =	simm.s32 @p4 $0x1FC7;
	[bflag:$0x0] =	sbarrier.arrive $0xFFFF  }
0x79: {  	[hbm:s9], [sflag:s11] =	dma.local @p4 [spmem:s10], $0x2800  }
0x7a: {  	s9 =	simm.s32 @p4 $0x7  }
0x7b: {  	_ =	swait.ge @p4 [sflag:s9], $0x2800  }
0x7c: {  	[sflag:s9] =	ssyncset.done @p4 $0x0  }
0x7d: {  	s7 =	sadd.s32 $0x1, s7;
	[sflag:s9] =	ssyncadd.s32 @p4 $0xFFFFD800;
	s9 =	stileid.u32  }
0x7e: {  	p5 =	sne.s32 s7, s14;
	s10 =	rddreg [dreg:$0x4];
	s9 =	sshll.u32 @!p4 s9, $0x6  }
0x7f: {  	s11 =	sshrl.u32 @!p4 s6, $0x3;
	s10 =	sadd.s32 @!p4 s10, s13;
	s9 =	sor.u32 @!p4 $0x1C07, s9  }
0x80: {  	[hbm:s10], [sflag:s9] =	dma.local @!p4 [spmem:s11], $0x2700  }
.Ltmp1:
0x81: {  	_ = 	snop;
	(pc) =	sbr.rel @p5 .LBB2_1-.Ltmp1, $4  }
0x82: {  	s9 =	simm.s32 @!p4 $0x7  }
0x83: {  	_ =	swait.ge @!p4 [sflag:s9], $0x2700  }
0x84: {  	[sflag:s9] =	ssyncset.done @!p4 $0x0  }
0x85: {  	[sflag:s9] =	ssyncadd.s32 @!p4 $0xFFFFD900  }
0x86: {  	_ =	sfence.sel $0x180000  }
0x87: {  	[bflag:$0x0] =	sbarrier.arrive $0xFFFF  }
0x88: {  	_ =	strace $0x90000047  }
0x89: {  	s0 =	stileid.u32;
	[bflag:$0x2] =	sbarrier.arrive $0xFFFF  }
0x8a: {  	p0 =	sne.s32 s0, $0x0;
	s0 =	rddreg [dreg:$0x3]  }
0x8b: {  	s0 =	sadd.s32 @!p0 $0x100000, s0  }
0x8c: {  	[sflag:s0] =	ssyncadd.tile.s32 @!p0 $0x1;
	_ =	shalt  }
.Lfunc_end2:
_tile_overlayer_lowered:
.L_overlay_start_2:
0x8d: {  	(tag) =	ssettag $0x2  }
0x8e: {  	s0 =	rddreg [dreg:$0x0];
	s2 =	stileid.u32  }
0x8f: {  	s1 =	rddreg [dreg:$0x1];
	p0 =	sne.s32 s2, $0x0  }
0x90: {  	s3 =	rddreg [dreg:$0x2];
	[bflag:$0x3] =	sbarrier.arrive $0xFFFF;
	s2 =	simm.s32 @!p0 $0x1C07  }
0x91: {  	[timem:s3], [sflag:s2] =	dma.local @!p0 [hbm:s0], s1  }
0x92: {  	s0 =	simm.s32 @!p0 $0x7  }
0x93: {  	_ =	swait.ge @!p0 [sflag:s0], s1  }
0x94: {  	s1 =	ssub.s32 @!p0 $0x0, s1;
	[sflag:s0] =	ssyncset.done @!p0 $0x0  }
0x95: {  	[sflag:s0] =	ssyncadd.s32 @!p0 s1  }
0x96: {  	[bflag:$0x3] =	sbarrier.arrive $0xFFFF  }
0x97: {  	_ =	shalt  }

</sc_bundles>
